<compile_context>
chip_gen: v7x
topology: tpu7x:2x2x1
jax: 0.10.2.dev20260603
libtpu: 0.0.44.dev20260713+nightly
codegen_flags: <defaults>
</compile_context>

<pallas_src>
import functools

import jax
import jax.numpy as jnp
from jax import lax
from jax.experimental import pallas as pl
from jax.experimental.pallas import tpu as pltpu
from jax.experimental.pallas import tpu_sc as plsc

NUM_TOKENS = 16384
INPUT_DIM = 2048
NUM_EXPERTS = 64
TOPK = 2

NUM_WORKERS = 32
BLK = NUM_TOKENS // NUM_WORKERS
LANES = 16
GROUPS = BLK // LANES


TC_BT = 1024
TC_PER = TC_BT // BLK


def _tc_logits_body(x_ref, w_ref, out_ref):
    res = lax.dot_general(
        w_ref[...], x_ref[...],
        dimension_numbers=(((1,), (1,)), ((), ())),
        preferred_element_type=jnp.float32,
    )
    for j in range(TC_PER):
        out_ref[j, :, :] = res[:, j * BLK:(j + 1) * BLK]


def _tc_logits(x, W):
    return pl.pallas_call(
        _tc_logits_body,
        grid=(NUM_TOKENS // TC_BT,),
        in_specs=[
            pl.BlockSpec((TC_BT, INPUT_DIM), lambda i: (i, 0)),
            pl.BlockSpec((NUM_EXPERTS, INPUT_DIM), lambda i: (0, 0)),
        ],
        out_specs=pl.BlockSpec(
            (TC_PER, NUM_EXPERTS, BLK), lambda i: (i, 0, 0)),
        out_shape=jax.ShapeDtypeStruct(
            (NUM_WORKERS, NUM_EXPERTS, BLK), jnp.float32),
    )(x, W)


def _sc_route_body(lt_hbm, fw_hbm, ix_hbm, lt_v, fw_v, ix_v, sem):
    del sem
    c = lax.axis_index("c")
    s = lax.axis_index("s")
    wid = s * 2 + c
    base = wid * BLK
    pltpu.sync_copy(lt_hbm.at[wid], lt_v)

    lane = lax.iota(jnp.int32, LANES)

    def group(g, carry):
        t0 = g * LANES
        for e in range(NUM_EXPERTS):
            fw_v[e, pl.ds(t0, LANES)] = jnp.zeros((LANES,), jnp.float32)
        m1 = lt_v[0, pl.ds(t0, LANES)]
        i1 = jnp.zeros((LANES,), jnp.int32)
        m2 = jnp.full((LANES,), -jnp.inf, jnp.float32)
        i2 = jnp.zeros((LANES,), jnp.int32)
        for e in range(1, NUM_EXPERTS):
            v = lt_v[e, pl.ds(t0, LANES)]
            ev = jnp.full((LANES,), e, jnp.int32)
            gt1 = v > m1
            gt2 = v > m2
            m2 = jnp.where(gt2, jnp.where(gt1, m1, v), m2)
            i2 = jnp.where(gt2, jnp.where(gt1, i1, ev), i2)
            m1 = jnp.where(gt1, v, m1)
            i1 = jnp.where(gt1, ev, i1)
        ed = jnp.exp(m2 - m1)
        denom = 1.0 + ed
        w1 = 1.0 / denom
        w2 = ed / denom
        tloc = t0 + lane
        plsc.store_scatter(fw_v, [i1, tloc], w1)
        plsc.store_scatter(fw_v, [i2, tloc], w2)
        ix_v[0, pl.ds(t0, LANES)] = i1
        ix_v[1, pl.ds(t0, LANES)] = i2
        return carry

    lax.fori_loop(0, GROUPS, group, 0)

    pltpu.sync_copy(fw_v, fw_hbm.at[:, pl.ds(base, BLK)])
    pltpu.sync_copy(ix_v, ix_hbm.at[:, pl.ds(base, BLK)])


@functools.cache
def _sc_route():
    return pl.kernel(
        _sc_route_body,
        out_type=(
            jax.ShapeDtypeStruct((NUM_EXPERTS, NUM_TOKENS), jnp.float32),
            jax.ShapeDtypeStruct((TOPK, NUM_TOKENS), jnp.int32),
        ),
        mesh=plsc.VectorSubcoreMesh(
            core_axis_name="c", subcore_axis_name="s",
            num_cores=2, num_subcores=16),
        scratch_types=[
            pltpu.VMEM((NUM_EXPERTS, BLK), jnp.float32),
            pltpu.VMEM((NUM_EXPERTS, BLK), jnp.float32),
            pltpu.VMEM((TOPK, BLK), jnp.int32),
            pltpu.SemaphoreType.DMA,
        ],
        compiler_params=pltpu.CompilerParams(needs_layout_passes=False),
    )


def kernel(x, W):
    lt = _tc_logits(x, W)
    fw_em, ix_em = _sc_route()(lt)
    return (fw_em.T, ix_em.T)

# --- scband reference (transcript-rebuilt; emitter-appended) ---
"""Pipeline reference for scband-top-kgate-40707700032214 (READ-ONLY COPY).

The authoritative reference and input builder live on the scoring server;
editing this copy changes nothing except your own understanding.
"""

import jax, jax.numpy as jnp
import numpy as np

NUM_TOKENS = 16384
INPUT_DIM = 2048
NUM_EXPERTS = 64
K = 2

def setup_inputs(seed: int = 0) -> dict:
    key = jax.random.key(seed)
    kx, kw = jax.random.split(key)
    x = jax.random.normal(kx, (NUM_TOKENS, INPUT_DIM), dtype=jnp.float32)
    # torch nn.Linear weight: [out_features, in_features], kaiming-uniform-ish init
    bound = 1.0 / np.sqrt(INPUT_DIM)
    W = jax.random.uniform(kw, (NUM_EXPERTS, INPUT_DIM), dtype=jnp.float32, minval=-bound, maxval=bound)
    return {"x": x, "W": W}

def reference(x, W):
    # logits = x @ W^T  (nn.Linear without bias)
    logits = jnp.dot(x, W.T)
    top_k_logits, top_k_indices = jax.lax.top_k(logits, K)
    top_k_weights = jax.nn.softmax(top_k_logits, axis=-1)
    full_weights = jnp.zeros_like(logits)
    row_idx = jnp.arange(logits.shape[0])[:, None]
    full_weights = full_weights.at[row_idx, top_k_indices].set(top_k_weights)
    return (full_weights, top_k_indices)

if __name__ == "__main__":
    import jax
    _d = setup_inputs()
    print(jax.jit(kernel)(*tuple(_d.values())))

</pallas_src>

<mosaic_0001>
#map = affine_map<(d0, d1) -> (0, 0, 0)>
#map1 = affine_map<(d0, d1) -> (0, 0)>
module attributes {stable_mosaic.version = 14 : i64} {
  func.func @_sc_route_body(%arg0: i32, %arg1: i32, %arg2: memref<32x64x512xf32, #tpu.memory_space<hbm>>, %arg3: memref<64x16384xf32, #tpu.memory_space<hbm>>, %arg4: memref<2x16384xi32, #tpu.memory_space<hbm>>, %arg5: memref<64x512xf32, #tpu.memory_space<vmem>>, %arg6: memref<64x512xf32, #tpu.memory_space<vmem>>, %arg7: memref<2x512xi32, #tpu.memory_space<vmem>>, %arg8: memref<!tpu.dma_semaphore, #tpu.memory_space<semaphore_mem>>) attributes {dimension_semantics = [#tpu.dimension_semantics<core_parallel>, #tpu.dimension_semantics<subcore_parallel>], iteration_bounds = array<i64: 2, 16>, scalar_prefetch = 0 : i64, scratch_operands = 4 : i64, tpu.core_type = #tpu.core_type<sc_vector_subcore>, window_params = [{transform_indices = #map}, {transform_indices = #map1}, {transform_indices = #map1}]} {
    %mul3A = arith.constant 2 : i32
    %mul3A_0 = arith.muli %arg1, %mul3A : i32
    %add3A = arith.addi %mul3A_0, %arg0 : i32
    %mul3A_1 = arith.constant 512 : i32
    %mul3A_2 = arith.muli %add3A, %mul3A_1 : i32
    "tpu.region"() ({
      %run_scoped3A = tpu.sem_alloc : memref<!tpu.dma_semaphore, #tpu.memory_space<semaphore_mem>>
      %dma_start3A = arith.constant 0 : i32
      %dma_start3A_8 = arith.constant 0 : i32
      %dma_start3A_9 = tpu.memref_slice %arg2[%add3A, %dma_start3A, %dma_start3A_8] : memref<32x64x512xf32, #tpu.memory_space<hbm>> -> memref<1x64x512xf32, #tpu.memory_space<hbm>>
      %dma_start3A_10 = tpu.memref_squeeze %dma_start3A_9 : memref<1x64x512xf32, #tpu.memory_space<hbm>> -> memref<64x512xf32, #tpu.memory_space<hbm>>
      %dma_start3A_11 = arith.constant 0 : i32
      %dma_start3A_12 = arith.constant 0 : i32
      %dma_start3A_13 = tpu.memref_slice %arg2[%add3A, %dma_start3A_11, %dma_start3A_12] : memref<32x64x512xf32, #tpu.memory_space<hbm>> -> memref<1x64x512xf32, #tpu.memory_space<hbm>>
      %dma_start3A_14 = tpu.memref_squeeze %dma_start3A_13 : memref<1x64x512xf32, #tpu.memory_space<hbm>> -> memref<64x512xf32, #tpu.memory_space<hbm>>
      tpu.enqueue_dma source(%dma_start3A_14 : memref<64x512xf32, #tpu.memory_space<hbm>>) target(%arg5 : memref<64x512xf32, #tpu.memory_space<vmem>>) target_semaphore(%run_scoped3A : memref<!tpu.dma_semaphore, #tpu.memory_space<semaphore_mem>>)
      %dma_wait3A = arith.constant 0 : i32
      %dma_wait3A_15 = arith.constant 0 : i32
      %dma_wait3A_16 = tpu.memref_slice %arg2[%add3A, %dma_wait3A, %dma_wait3A_15] : memref<32x64x512xf32, #tpu.memory_space<hbm>> -> memref<1x64x512xf32, #tpu.memory_space<hbm>>
      %dma_wait3A_17 = tpu.memref_squeeze %dma_wait3A_16 : memref<1x64x512xf32, #tpu.memory_space<hbm>> -> memref<64x512xf32, #tpu.memory_space<hbm>>
      %dma_wait3A_18 = arith.constant 0 : i32
      %dma_wait3A_19 = arith.constant 0 : i32
      %dma_wait3A_20 = tpu.memref_slice %arg2[%add3A, %dma_wait3A_18, %dma_wait3A_19] : memref<32x64x512xf32, #tpu.memory_space<hbm>> -> memref<1x64x512xf32, #tpu.memory_space<hbm>>
      %dma_wait3A_21 = tpu.memref_squeeze %dma_wait3A_20 : memref<1x64x512xf32, #tpu.memory_space<hbm>> -> memref<64x512xf32, #tpu.memory_space<hbm>>
      tpu.wait_dma2 semaphore(%run_scoped3A : memref<!tpu.dma_semaphore, #tpu.memory_space<semaphore_mem>>) src(%dma_wait3A_21 : memref<64x512xf32, #tpu.memory_space<hbm>>) dst(%arg5 : memref<64x512xf32, #tpu.memory_space<vmem>>)
      tpu.yield
    }) : () -> ()
    %iota3A = tpu.iota {dimensions = array<i32: 0>} : vector<16xi32>
    %scan3A = arith.constant 0 : i32
    %scan3A_3 = arith.constant 0 : i32
    %scan3A_4 = arith.constant 32 : i32
    %scan3A_5 = arith.addi %scan3A_3, %scan3A_4 : i32
    %scan3A_6 = arith.constant 1 : i32
    scf.for %scan3A_8 = %scan3A_3 to %scan3A_5 step %scan3A_6  : i32 {
      %mul3A_9 = arith.constant 16 : i32
      %mul3A_10 = arith.muli %scan3A_8, %mul3A_9 : i32
      %broadcast_in_dim3A = arith.constant 0.000000e+00 : f32
      %broadcast_in_dim3A_11 = vector.broadcast %broadcast_in_dim3A : f32 to vector<16xf32>
      %swap3A = arith.constant 0 : i32
      %swap3A_12 = arith.index_cast %swap3A : i32 to index
      %swap3A_13 = arith.index_cast %mul3A_10 : i32 to index
      %swap3A_14 = tpu.vector_load %arg6[%swap3A_12, %swap3A_13] {strides = array<i32>} : memref<64x512xf32, #tpu.memory_space<vmem>>, vector<16xf32>,
      tpu.vector_store %arg6[%swap3A_12, %swap3A_13], %broadcast_in_dim3A_11 {strides = array<i32>} : memref<64x512xf32, #tpu.memory_space<vmem>>, vector<16xf32>,
      %broadcast_in_dim3A_15 = arith.constant 0.000000e+00 : f32
      %broadcast_in_dim3A_16 = vector.broadcast %broadcast_in_dim3A_15 : f32 to vector<16xf32>
      %swap3A_17 = arith.constant 1 : i32
      %swap3A_18 = arith.index_cast %swap3A_17 : i32 to index
      %swap3A_19 = arith.index_cast %mul3A_10 : i32 to index
      %swap3A_20 = tpu.vector_load %arg6[%swap3A_18, %swap3A_19] {strides = array<i32>} : memref<64x512xf32, #tpu.memory_space<vmem>>, vector<16xf32>,
      tpu.vector_store %arg6[%swap3A_18, %swap3A_19], %broadcast_in_dim3A_16 {strides = array<i32>} : memref<64x512xf32, #tpu.memory_space<vmem>>, vector<16xf32>,
      %broadcast_in_dim3A_21 = arith.constant 0.000000e+00 : f32
      %broadcast_in_dim3A_22 = vector.broadcast %broadcast_in_dim3A_21 : f32 to vector<16xf32>
      %swap3A_23 = arith.constant 2 : i32
      %swap3A_24 = arith.index_cast %swap3A_23 : i32 to index
      %swap3A_25 = arith.index_cast %mul3A_10 : i32 to index
      %swap3A_26 = tpu.vector_load %arg6[%swap3A_24, %swap3A_25] {strides = array<i32>} : memref<64x512xf32, #tpu.memory_space<vmem>>, vector<16xf32>,
      tpu.vector_store %arg6[%swap3A_24, %swap3A_25], %broadcast_in_dim3A_22 {strides = array<i32>} : memref<64x512xf32, #tpu.memory_space<vmem>>, vector<16xf32>,
      %broadcast_in_dim3A_27 = arith.constant 0.000000e+00 : f32
      %broadcast_in_dim3A_28 = vector.broadcast %broadcast_in_dim3A_27 : f32 to vector<16xf32>
      %swap3A_29 = arith.constant 3 : i32
      %swap3A_30 = arith.index_cast %swap3A_29 : i32 to index
      %swap3A_31 = arith.index_cast %mul3A_10 : i32 to index
      %swap3A_32 = tpu.vector_load %arg6[%swap3A_30, %swap3A_31] {strides = array<i32>} : memref<64x512xf32, #tpu.memory_space<vmem>>, vector<16xf32>,
      tpu.vector_store %arg6[%swap3A_30, %swap3A_31], %broadcast_in_dim3A_28 {strides = array<i32>} : memref<64x512xf32, #tpu.memory_space<vmem>>, vector<16xf32>,
      %broadcast_in_dim3A_33 = arith.constant 0.000000e+00 : f32
      %broadcast_in_dim3A_34 = vector.broadcast %broadcast_in_dim3A_33 : f32 to vector<16xf32>
      %swap3A_35 = arith.constant 4 : i32
      %swap3A_36 = arith.index_cast %swap3A_35 : i32 to index
      %swap3A_37 = arith.index_cast %mul3A_10 : i32 to index
      %swap3A_38 = tpu.vector_load %arg6[%swap3A_36, %swap3A_37] {strides = array<i32>} : memref<64x512xf32, #tpu.memory_space<vmem>>, vector<16xf32>,
      tpu.vector_store %arg6[%swap3A_36, %swap3A_37], %broadcast_in_dim3A_34 {strides = array<i32>} : memref<64x512xf32, #tpu.memory_space<vmem>>, vector<16xf32>,
      %broadcast_in_dim3A_39 = arith.constant 0.000000e+00 : f32
      %broadcast_in_dim3A_40 = vector.broadcast %broadcast_in_dim3A_39 : f32 to vector<16xf32>
      %swap3A_41 = arith.constant 5 : i32
      %swap3A_42 = arith.index_cast %swap3A_41 : i32 to index
      %swap3A_43 = arith.index_cast %mul3A_10 : i32 to index
      %swap3A_44 = tpu.vector_load %arg6[%swap3A_42, %swap3A_43] {strides = array<i32>} : memref<64x512xf32, #tpu.memory_space<vmem>>, vector<16xf32>,
      tpu.vector_store %arg6[%swap3A_42, %swap3A_43], %broadcast_in_dim3A_40 {strides = array<i32>} : memref<64x512xf32, #tpu.memory_space<vmem>>, vector<16xf32>,
      %broadcast_in_dim3A_45 = arith.constant 0.000000e+00 : f32
      %broadcast_in_dim3A_46 = vector.broadcast %broadcast_in_dim3A_45 : f32 to vector<16xf32>
      %swap3A_47 = arith.constant 6 : i32
      %swap3A_48 = arith.index_cast %swap3A_47 : i32 to index
      %swap3A_49 = arith.index_cast %mul3A_10 : i32 to index
      %swap3A_50 = tpu.vector_load %arg6[%swap3A_48, %swap3A_49] {strides = array<i32>} : memref<64x512xf32, #tpu.memory_space<vmem>>, vector<16xf32>,
      tpu.vector_store %arg6[%swap3A_48, %swap3A_49], %broadcast_in_dim3A_46 {strides = array<i32>} : memref<64x512xf32, #tpu.memory_space<vmem>>, vector<16xf32>,
      %broadcast_in_dim3A_51 = arith.constant 0.000000e+00 : f32
      %broadcast_in_dim3A_52 = vector.broadcast %broadcast_in_dim3A_51 : f32 to vector<16xf32>
      %swap3A_53 = arith.constant 7 : i32
      %swap3A_54 = arith.index_cast %swap3A_53 : i32 to index
      %swap3A_55 = arith.index_cast %mul3A_10 : i32 to index
      %swap3A_56 = tpu.vector_load %arg6[%swap3A_54, %swap3A_55] {strides = array<i32>} : memref<64x512xf32, #tpu.memory_space<vmem>>, vector<16xf32>,
      tpu.vector_store %arg6[%swap3A_54, %swap3A_55], %broadcast_in_dim3A_52 {strides = array<i32>} : memref<64x512xf32, #tpu.memory_space<vmem>>, vector<16xf32>,
      %broadcast_in_dim3A_57 = arith.constant 0.000000e+00 : f32
      %broadcast_in_dim3A_58 = vector.broadcast %broadcast_in_dim3A_57 : f32 to vector<16xf32>
      %swap3A_59 = arith.constant 8 : i32
      %swap3A_60 = arith.index_cast %swap3A_59 : i32 to index
      %swap3A_61 = arith.index_cast %mul3A_10 : i32 to index
      %swap3A_62 = tpu.vector_load %arg6[%swap3A_60, %swap3A_61] {strides = array<i32>} : memref<64x512xf32, #tpu.memory_space<vmem>>, vector<16xf32>,
      tpu.vector_store %arg6[%swap3A_60, %swap3A_61], %broadcast_in_dim3A_58 {strides = array<i32>} : memref<64x512xf32, #tpu.memory_space<vmem>>, vector<16xf32>,
      %broadcast_in_dim3A_63 = arith.constant 0.000000e+00 : f32
      %broadcast_in_dim3A_64 = vector.broadcast %broadcast_in_dim3A_63 : f32 to vector<16xf32>
      %swap3A_65 = arith.constant 9 : i32
      %swap3A_66 = arith.index_cast %swap3A_65 : i32 to index
      %swap3A_67 = arith.index_cast %mul3A_10 : i32 to index
      %swap3A_68 = tpu.vector_load %arg6[%swap3A_66, %swap3A_67] {strides = array<i32>} : memref<64x512xf32, #tpu.memory_space<vmem>>, vector<16xf32>,
      tpu.vector_store %arg6[%swap3A_66, %swap3A_67], %broadcast_in_dim3A_64 {strides = array<i32>} : memref<64x512xf32, #tpu.memory_space<vmem>>, vector<16xf32>,
      %broadcast_in_dim3A_69 = arith.constant 0.000000e+00 : f32
      %broadcast_in_dim3A_70 = vector.broadcast %broadcast_in_dim3A_69 : f32 to vector<16xf32>
      %swap3A_71 = arith.constant 10 : i32
      %swap3A_72 = arith.index_cast %swap3A_71 : i32 to index
      %swap3A_73 = arith.index_cast %mul3A_10 : i32 to index
      %swap3A_74 = tpu.vector_load %arg6[%swap3A_72, %swap3A_73] {strides = array<i32>} : memref<64x512xf32, #tpu.memory_space<vmem>>, vector<16xf32>,
      tpu.vector_store %arg6[%swap3A_72, %swap3A_73], %broadcast_in_dim3A_70 {strides = array<i32>} : memref<64x512xf32, #tpu.memory_space<vmem>>, vector<16xf32>,
      %broadcast_in_dim3A_75 = arith.constant 0.000000e+00 : f32
      %broadcast_in_dim3A_76 = vector.broadcast %broadcast_in_dim3A_75 : f32 to vector<16xf32>
      %swap3A_77 = arith.constant 11 : i32
      %swap3A_78 = arith.index_cast %swap3A_77 : i32 to index
      %swap3A_79 = arith.index_cast %mul3A_10 : i32 to index
      %swap3A_80 = tpu.vector_load %arg6[%swap3A_78, %swap3A_79] {strides = array<i32>} : memref<64x512xf32, #tpu.memory_space<vmem>>, vector<16xf32>,
      tpu.vector_store %arg6[%swap3A_78, %swap3A_79], %broadcast_in_dim3A_76 {strides = array<i32>} : memref<64x512xf32, #tpu.memory_space<vmem>>, vector<16xf32>,
      %broadcast_in_dim3A_81 = arith.constant 0.000000e+00 : f32
      %broadcast_in_dim3A_82 = vector.broadcast %broadcast_in_dim3A_81 : f32 to vector<16xf32>
      %swap3A_83 = arith.constant 12 : i32
      %swap3A_84 = arith.index_cast %swap3A_83 : i32 to index
      %swap3A_85 = arith.index_cast %mul3A_10 : i32 to index
      %swap3A_86 = tpu.vector_load %arg6[%swap3A_84, %swap3A_85] {strides = array<i32>} : memref<64x512xf32, #tpu.memory_space<vmem>>, vector<16xf32>,
      tpu.vector_store %arg6[%swap3A_84, %swap3A_85], %broadcast_in_dim3A_82 {strides = array<i32>} : memref<64x512xf32, #tpu.memory_space<vmem>>, vector<16xf32>,
      %broadcast_in_dim3A_87 = arith.constant 0.000000e+00 : f32
      %broadcast_in_dim3A_88 = vector.broadcast %broadcast_in_dim3A_87 : f32 to vector<16xf32>
      %swap3A_89 = arith.constant 13 : i32
      %swap3A_90 = arith.index_cast %swap3A_89 : i32 to index
      %swap3A_91 = arith.index_cast %mul3A_10 : i32 to index
      %swap3A_92 = tpu.vector_load %arg6[%swap3A_90, %swap3A_91] {strides = array<i32>} : memref<64x512xf32, #tpu.memory_space<vmem>>, vector<16xf32>,
      tpu.vector_store %arg6[%swap3A_90, %swap3A_91], %broadcast_in_dim3A_88 {strides = array<i32>} : memref<64x512xf32, #tpu.memory_space<vmem>>, vector<16xf32>,
      %broadcast_in_dim3A_93 = arith.constant 0.000000e+00 : f32
      %broadcast_in_dim3A_94 = vector.broadcast %broadcast_in_dim3A_93 : f32 to vector<16xf32>
      %swap3A_95 = arith.constant 14 : i32
      %swap3A_96 = arith.index_cast %swap3A_95 : i32 to index
      %swap3A_97 = arith.index_cast %mul3A_10 : i32 to index
      %swap3A_98 = tpu.vector_load %arg6[%swap3A_96, %swap3A_97] {strides = array<i32>} : memref<64x512xf32, #tpu.memory_space<vmem>>, vector<16xf32>,
      tpu.vector_store %arg6[%swap3A_96, %swap3A_97], %broadcast_in_dim3A_94 {strides = array<i32>} : memref<64x512xf32, #tpu.memory_space<vmem>>, vector<16xf32>,
      %broadcast_in_dim3A_99 = arith.constant 0.000000e+00 : f32
      %broadcast_in_dim3A_100 = vector.broadcast %broadcast_in_dim3A_99 : f32 to vector<16xf32>
      %swap3A_101 = arith.constant 15 : i32
      %swap3A_102 = arith.index_cast %swap3A_101 : i32 to index
      %swap3A_103 = arith.index_cast %mul3A_10 : i32 to index
      %swap3A_104 = tpu.vector_load %arg6[%swap3A_102, %swap3A_103] {strides = array<i32>} : memref<64x512xf32, #tpu.memory_space<vmem>>, vector<16xf32>,
      tpu.vector_store %arg6[%swap3A_102, %swap3A_103], %broadcast_in_dim3A_100 {strides = array<i32>} : memref<64x512xf32, #tpu.memory_space<vmem>>, vector<16xf32>,
      %broadcast_in_dim3A_105 = arith.constant 0.000000e+00 : f32
      %broadcast_in_dim3A_106 = vector.broadcast %broadcast_in_dim3A_105 : f32 to vector<16xf32>
      %swap3A_107 = arith.constant 16 : i32
      %swap3A_108 = arith.index_cast %swap3A_107 : i32 to index
      %swap3A_109 = arith.index_cast %mul3A_10 : i32 to index
      %swap3A_110 = tpu.vector_load %arg6[%swap3A_108, %swap3A_109] {strides = array<i32>} : memref<64x512xf32, #tpu.memory_space<vmem>>, vector<16xf32>,
      tpu.vector_store %arg6[%swap3A_108, %swap3A_109], %broadcast_in_dim3A_106 {strides = array<i32>} : memref<64x512xf32, #tpu.memory_space<vmem>>, vector<16xf32>,
      %broadcast_in_dim3A_111 = arith.constant 0.000000e+00 : f32
      %broadcast_in_dim3A_112 = vector.broadcast %broadcast_in_dim3A_111 : f32 to vector<16xf32>
      %swap3A_113 = arith.constant 17 : i32
      %swap3A_114 = arith.index_cast %swap3A_113 : i32 to index
      %swap3A_115 = arith.index_cast %mul3A_10 : i32 to index
      %swap3A_116 = tpu.vector_load %arg6[%swap3A_114, %swap3A_115] {strides = array<i32>} : memref<64x512xf32, #tpu.memory_space<vmem>>, vector<16xf32>,
      tpu.vector_store %arg6[%swap3A_114, %swap3A_115], %broadcast_in_dim3A_112 {strides = array<i32>} : memref<64x512xf32, #tpu.memory_space<vmem>>, vector<16xf32>,
      %broadcast_in_dim3A_117 = arith.constant 0.000000e+00 : f32
      %broadcast_in_dim3A_118 = vector.broadcast %broadcast_in_dim3A_117 : f32 to vector<16xf32>
      %swap3A_119 = arith.constant 18 : i32
      %swap3A_120 = arith.index_cast %swap3A_119 : i32 to index
      %swap3A_121 = arith.index_cast %mul3A_10 : i32 to index
      %swap3A_122 = tpu.vector_load %arg6[%swap3A_120, %swap3A_121] {strides = array<i32>} : memref<64x512xf32, #tpu.memory_space<vmem>>, vector<16xf32>,
      tpu.vector_store %arg6[%swap3A_120, %swap3A_121], %broadcast_in_dim3A_118 {strides = array<i32>} : memref<64x512xf32, #tpu.memory_space<vmem>>, vector<16xf32>,
      %broadcast_in_dim3A_123 = arith.constant 0.000000e+00 : f32
      %broadcast_in_dim3A_124 = vector.broadcast %broadcast_in_dim3A_123 : f32 to vector<16xf32>
      %swap3A_125 = arith.constant 19 : i32
      %swap3A_126 = arith.index_cast %swap3A_125 : i32 to index
      %swap3A_127 = arith.index_cast %mul3A_10 : i32 to index
      %swap3A_128 = tpu.vector_load %arg6[%swap3A_126, %swap3A_127] {strides = array<i32>} : memref<64x512xf32, #tpu.memory_space<vmem>>, vector<16xf32>,
      tpu.vector_store %arg6[%swap3A_126, %swap3A_127], %broadcast_in_dim3A_124 {strides = array<i32>} : memref<64x512xf32, #tpu.memory_space<vmem>>, vector<16xf32>,
      %broadcast_in_dim3A_129 = arith.constant 0.000000e+00 : f32
      %broadcast_in_dim3A_130 = vector.broadcast %broadcast_in_dim3A_129 : f32 to vector<16xf32>
      %swap3A_131 = arith.constant 20 : i32
      %swap3A_132 = arith.index_cast %swap3A_131 : i32 to index
      %swap3A_133 = arith.index_cast %mul3A_10 : i32 to index
      %swap3A_134 = tpu.vector_load %arg6[%swap3A_132, %swap3A_133] {strides = array<i32>} : memref<64x512xf32, #tpu.memory_space<vmem>>, vector<16xf32>,
      tpu.vector_store %arg6[%swap3A_132, %swap3A_133], %broadcast_in_dim3A_130 {strides = array<i32>} : memref<64x512xf32, #tpu.memory_space<vmem>>, vector<16xf32>,
      %broadcast_in_dim3A_135 = arith.constant 0.000000e+00 : f32
      %broadcast_in_dim3A_136 = vector.broadcast %broadcast_in_dim3A_135 : f32 to vector<16xf32>
      %swap3A_137 = arith.constant 21 : i32
      %swap3A_138 = arith.index_cast %swap3A_137 : i32 to index
      %swap3A_139 = arith.index_cast %mul3A_10 : i32 to index
      %swap3A_140 = tpu.vector_load %arg6[%swap3A_138, %swap3A_139] {strides = array<i32>} : memref<64x512xf32, #tpu.memory_space<vmem>>, vector<16xf32>,
      tpu.vector_store %arg6[%swap3A_138, %swap3A_139], %broadcast_in_dim3A_136 {strides = array<i32>} : memref<64x512xf32, #tpu.memory_space<vmem>>, vector<16xf32>,
      %broadcast_in_dim3A_141 = arith.constant 0.000000e+00 : f32
      %broadcast_in_dim3A_142 = vector.broadcast %broadcast_in_dim3A_141 : f32 to vector<16xf32>
      %swap3A_143 = arith.constant 22 : i32
      %swap3A_144 = arith.index_cast %swap3A_143 : i32 to index
      %swap3A_145 = arith.index_cast %mul3A_10 : i32 to index
      %swap3A_146 = tpu.vector_load %arg6[%swap3A_144, %swap3A_145] {strides = array<i32>} : memref<64x512xf32, #tpu.memory_space<vmem>>, vector<16xf32>,
      tpu.vector_store %arg6[%swap3A_144, %swap3A_145], %broadcast_in_dim3A_142 {strides = array<i32>} : memref<64x512xf32, #tpu.memory_space<vmem>>, vector<16xf32>,
      %broadcast_in_dim3A_147 = arith.constant 0.000000e+00 : f32
      %broadcast_in_dim3A_148 = vector.broadcast %broadcast_in_dim3A_147 : f32 to vector<16xf32>
      %swap3A_149 = arith.constant 23 : i32
      %swap3A_150 = arith.index_cast %swap3A_149 : i32 to index
      %swap3A_151 = arith.index_cast %mul3A_10 : i32 to index
      %swap3A_152 = tpu.vector_load %arg6[%swap3A_150, %swap3A_151] {strides = array<i32>} : memref<64x512xf32, #tpu.memory_space<vmem>>, vector<16xf32>,
      tpu.vector_store %arg6[%swap3A_150, %swap3A_151], %broadcast_in_dim3A_148 {strides = array<i32>} : memref<64x512xf32, #tpu.memory_space<vmem>>, vector<16xf32>,
      %broadcast_in_dim3A_153 = arith.constant 0.000000e+00 : f32
      %broadcast_in_dim3A_154 = vector.broadcast %broadcast_in_dim3A_153 : f32 to vector<16xf32>
      %swap3A_155 = arith.constant 24 : i32
      %swap3A_156 = arith.index_cast %swap3A_155 : i32 to index
      %swap3A_157 = arith.index_cast %mul3A_10 : i32 to index
      %swap3A_158 = tpu.vector_load %arg6[%swap3A_156, %swap3A_157] {strides = array<i32>} : memref<64x512xf32, #tpu.memory_space<vmem>>, vector<16xf32>,
      tpu.vector_store %arg6[%swap3A_156, %swap3A_157], %broadcast_in_dim3A_154 {strides = array<i32>} : memref<64x512xf32, #tpu.memory_space<vmem>>, vector<16xf32>,
      %broadcast_in_dim3A_159 = arith.constant 0.000000e+00 : f32
      %broadcast_in_dim3A_160 = vector.broadcast %broadcast_in_dim3A_159 : f32 to vector<16xf32>
      %swap3A_161 = arith.constant 25 : i32
      %swap3A_162 = arith.index_cast %swap3A_161 : i32 to index
      %swap3A_163 = arith.index_cast %mul3A_10 : i32 to index
      %swap3A_164 = tpu.vector_load %arg6[%swap3A_162, %swap3A_163] {strides = array<i32>} : memref<64x512xf32, #tpu.memory_space<vmem>>, vector<16xf32>,
      tpu.vector_store %arg6[%swap3A_162, %swap3A_163], %broadcast_in_dim3A_160 {strides = array<i32>} : memref<64x512xf32, #tpu.memory_space<vmem>>, vector<16xf32>,
      %broadcast_in_dim3A_165 = arith.constant 0.000000e+00 : f32
      %broadcast_in_dim3A_166 = vector.broadcast %broadcast_in_dim3A_165 : f32 to vector<16xf32>
      %swap3A_167 = arith.constant 26 : i32
      %swap3A_168 = arith.index_cast %swap3A_167 : i32 to index
      %swap3A_169 = arith.index_cast %mul3A_10 : i32 to index
      %swap3A_170 = tpu.vector_load %arg6[%swap3A_168, %swap3A_169] {strides = array<i32>} : memref<64x512xf32, #tpu.memory_space<vmem>>, vector<16xf32>,
      tpu.vector_store %arg6[%swap3A_168, %swap3A_169], %broadcast_in_dim3A_166 {strides = array<i32>} : memref<64x512xf32, #tpu.memory_space<vmem>>, vector<16xf32>,
      %broadcast_in_dim3A_171 = arith.constant 0.000000e+00 : f32
      %broadcast_in_dim3A_172 = vector.broadcast %broadcast_in_dim3A_171 : f32 to vector<16xf32>
      %swap3A_173 = arith.constant 27 : i32
      %swap3A_174 = arith.index_cast %swap3A_173 : i32 to index
      %swap3A_175 = arith.index_cast %mul3A_10 : i32 to index
      %swap3A_176 = tpu.vector_load %arg6[%swap3A_174, %swap3A_175] {strides = array<i32>} : memref<64x512xf32, #tpu.memory_space<vmem>>, vector<16xf32>,
      tpu.vector_store %arg6[%swap3A_174, %swap3A_175], %broadcast_in_dim3A_172 {strides = array<i32>} : memref<64x512xf32, #tpu.memory_space<vmem>>, vector<16xf32>,
      %broadcast_in_dim3A_177 = arith.constant 0.000000e+00 : f32
      %broadcast_in_dim3A_178 = vector.broadcast %broadcast_in_dim3A_177 : f32 to vector<16xf32>
      %swap3A_179 = arith.constant 28 : i32
      %swap3A_180 = arith.index_cast %swap3A_179 : i32 to index
      %swap3A_181 = arith.index_cast %mul3A_10 : i32 to index
      %swap3A_182 = tpu.vector_load %arg6[%swap3A_180, %swap3A_181] {strides = array<i32>} : memref<64x512xf32, #tpu.memory_space<vmem>>, vector<16xf32>,
      tpu.vector_store %arg6[%swap3A_180, %swap3A_181], %broadcast_in_dim3A_178 {strides = array<i32>} : memref<64x512xf32, #tpu.memory_space<vmem>>, vector<16xf32>,
      %broadcast_in_dim3A_183 = arith.constant 0.000000e+00 : f32
      %broadcast_in_dim3A_184 = vector.broadcast %broadcast_in_dim3A_183 : f32 to vector<16xf32>
      %swap3A_185 = arith.constant 29 : i32
      %swap3A_186 = arith.index_cast %swap3A_185 : i32 to index
      %swap3A_187 = arith.index_cast %mul3A_10 : i32 to index
      %swap3A_188 = tpu.vector_load %arg6[%swap3A_186, %swap3A_187] {strides = array<i32>} : memref<64x512xf32, #tpu.memory_space<vmem>>, vector<16xf32>,
      tpu.vector_store %arg6[%swap3A_186, %swap3A_187], %broadcast_in_dim3A_184 {strides = array<i32>} : memref<64x512xf32, #tpu.memory_space<vmem>>, vector<16xf32>,
      %broadcast_in_dim3A_189 = arith.constant 0.000000e+00 : f32
      %broadcast_in_dim3A_190 = vector.broadcast %broadcast_in_dim3A_189 : f32 to vector<16xf32>
      %swap3A_191 = arith.constant 30 : i32
      %swap3A_192 = arith.index_cast %swap3A_191 : i32 to index
      %swap3A_193 = arith.index_cast %mul3A_10 : i32 to index
      %swap3A_194 = tpu.vector_load %arg6[%swap3A_192, %swap3A_193] {strides = array<i32>} : memref<64x512xf32, #tpu.memory_space<vmem>>, vector<16xf32>,
      tpu.vector_store %arg6[%swap3A_192, %swap3A_193], %broadcast_in_dim3A_190 {strides = array<i32>} : memref<64x512xf32, #tpu.memory_space<vmem>>, vector<16xf32>,
      %broadcast_in_dim3A_195 = arith.constant 0.000000e+00 : f32
      %broadcast_in_dim3A_196 = vector.broadcast %broadcast_in_dim3A_195 : f32 to vector<16xf32>
      %swap3A_197 = arith.constant 31 : i32
      %swap3A_198 = arith.index_cast %swap3A_197 : i32 to index
      %swap3A_199 = arith.index_cast %mul3A_10 : i32 to index
      %swap3A_200 = tpu.vector_load %arg6[%swap3A_198, %swap3A_199] {strides = array<i32>} : memref<64x512xf32, #tpu.memory_space<vmem>>, vector<16xf32>,
      tpu.vector_store %arg6[%swap3A_198, %swap3A_199], %broadcast_in_dim3A_196 {strides = array<i32>} : memref<64x512xf32, #tpu.memory_space<vmem>>, vector<16xf32>,
      %broadcast_in_dim3A_201 = arith.constant 0.000000e+00 : f32
      %broadcast_in_dim3A_202 = vector.broadcast %broadcast_in_dim3A_201 : f32 to vector<16xf32>
      %swap3A_203 = arith.constant 32 : i32
      %swap3A_204 = arith.index_cast %swap3A_203 : i32 to index
      %swap3A_205 = arith.index_cast %mul3A_10 : i32 to index
      %swap3A_206 = tpu.vector_load %arg6[%swap3A_204, %swap3A_205] {strides = array<i32>} : memref<64x512xf32, #tpu.memory_space<vmem>>, vector<16xf32>,
      tpu.vector_store %arg6[%swap3A_204, %swap3A_205], %broadcast_in_dim3A_202 {strides = array<i32>} : memref<64x512xf32, #tpu.memory_space<vmem>>, vector<16xf32>,
      %broadcast_in_dim3A_207 = arith.constant 0.000000e+00 : f32
      %broadcast_in_dim3A_208 = vector.broadcast %broadcast_in_dim3A_207 : f32 to vector<16xf32>
      %swap3A_209 = arith.constant 33 : i32
      %swap3A_210 = arith.index_cast %swap3A_209 : i32 to index
      %swap3A_211 = arith.index_cast %mul3A_10 : i32 to index
      %swap3A_212 = tpu.vector_load %arg6[%swap3A_210, %swap3A_211] {strides = array<i32>} : memref<64x512xf32, #tpu.memory_space<vmem>>, vector<16xf32>,
      tpu.vector_store %arg6[%swap3A_210, %swap3A_211], %broadcast_in_dim3A_208 {strides = array<i32>} : memref<64x512xf32, #tpu.memory_space<vmem>>, vector<16xf32>,
      %broadcast_in_dim3A_213 = arith.constant 0.000000e+00 : f32
      %broadcast_in_dim3A_214 = vector.broadcast %broadcast_in_dim3A_213 : f32 to vector<16xf32>
      %swap3A_215 = arith.constant 34 : i32
      %swap3A_216 = arith.index_cast %swap3A_215 : i32 to index
      %swap3A_217 = arith.index_cast %mul3A_10 : i32 to index
      %swap3A_218 = tpu.vector_load %arg6[%swap3A_216, %swap3A_217] {strides = array<i32>} : memref<64x512xf32, #tpu.memory_space<vmem>>, vector<16xf32>,
      tpu.vector_store %arg6[%swap3A_216, %swap3A_217], %broadcast_in_dim3A_214 {strides = array<i32>} : memref<64x512xf32, #tpu.memory_space<vmem>>, vector<16xf32>,
      %broadcast_in_dim3A_219 = arith.constant 0.000000e+00 : f32
      %broadcast_in_dim3A_220 = vector.broadcast %broadcast_in_dim3A_219 : f32 to vector<16xf32>
      %swap3A_221 = arith.constant 35 : i32
      %swap3A_222 = arith.index_cast %swap3A_221 : i32 to index
      %swap3A_223 = arith.index_cast %mul3A_10 : i32 to index
      %swap3A_224 = tpu.vector_load %arg6[%swap3A_222, %swap3A_223] {strides = array<i32>} : memref<64x512xf32, #tpu.memory_space<vmem>>, vector<16xf32>,
      tpu.vector_store %arg6[%swap3A_222, %swap3A_223], %broadcast_in_dim3A_220 {strides = array<i32>} : memref<64x512xf32, #tpu.memory_space<vmem>>, vector<16xf32>,
      %broadcast_in_dim3A_225 = arith.constant 0.000000e+00 : f32
      %broadcast_in_dim3A_226 = vector.broadcast %broadcast_in_dim3A_225 : f32 to vector<16xf32>
      %swap3A_227 = arith.constant 36 : i32
      %swap3A_228 = arith.index_cast %swap3A_227 : i32 to index
      %swap3A_229 = arith.index_cast %mul3A_10 : i32 to index
      %swap3A_230 = tpu.vector_load %arg6[%swap3A_228, %swap3A_229] {strides = array<i32>} : memref<64x512xf32, #tpu.memory_space<vmem>>, vector<16xf32>,
      tpu.vector_store %arg6[%swap3A_228, %swap3A_229], %broadcast_in_dim3A_226 {strides = array<i32>} : memref<64x512xf32, #tpu.memory_space<vmem>>, vector<16xf32>,
      %broadcast_in_dim3A_231 = arith.constant 0.000000e+00 : f32
      %broadcast_in_dim3A_232 = vector.broadcast %broadcast_in_dim3A_231 : f32 to vector<16xf32>
      %swap3A_233 = arith.constant 37 : i32
      %swap3A_234 = arith.index_cast %swap3A_233 : i32 to index
      %swap3A_235 = arith.index_cast %mul3A_10 : i32 to index
      %swap3A_236 = tpu.vector_load %arg6[%swap3A_234, %swap3A_235] {strides = array<i32>} : memref<64x512xf32, #tpu.memory_space<vmem>>, vector<16xf32>,
      tpu.vector_store %arg6[%swap3A_234, %swap3A_235], %broadcast_in_dim3A_232 {strides = array<i32>} : memref<64x512xf32, #tpu.memory_space<vmem>>, vector<16xf32>,
      %broadcast_in_dim3A_237 = arith.constant 0.000000e+00 : f32
      %broadcast_in_dim3A_238 = vector.broadcast %broadcast_in_dim3A_237 : f32 to vector<16xf32>
      %swap3A_239 = arith.constant 38 : i32
      %swap3A_240 = arith.index_cast %swap3A_239 : i32 to index
      %swap3A_241 = arith.index_cast %mul3A_10 : i32 to index
      %swap3A_242 = tpu.vector_load %arg6[%swap3A_240, %swap3A_241] {strides = array<i32>} : memref<64x512xf32, #tpu.memory_space<vmem>>, vector<16xf32>,
      tpu.vector_store %arg6[%swap3A_240, %swap3A_241], %broadcast_in_dim3A_238 {strides = array<i32>} : memref<64x512xf32, #tpu.memory_space<vmem>>, vector<16xf32>,
      %broadcast_in_dim3A_243 = arith.constant 0.000000e+00 : f32
      %broadcast_in_dim3A_244 = vector.broadcast %broadcast_in_dim3A_243 : f32 to vector<16xf32>
      %swap3A_245 = arith.constant 39 : i32
      %swap3A_246 = arith.index_cast %swap3A_245 : i32 to index
      %swap3A_247 = arith.index_cast %mul3A_10 : i32 to index
      %swap3A_248 = tpu.vector_load %arg6[%swap3A_246, %swap3A_247] {strides = array<i32>} : memref<64x512xf32, #tpu.memory_space<vmem>>, vector<16xf32>,
      tpu.vector_store %arg6[%swap3A_246, %swap3A_247], %broadcast_in_dim3A_244 {strides = array<i32>} : memref<64x512xf32, #tpu.memory_space<vmem>>, vector<16xf32>,
      %broadcast_in_dim3A_249 = arith.constant 0.000000e+00 : f32
      %broadcast_in_dim3A_250 = vector.broadcast %broadcast_in_dim3A_249 : f32 to vector<16xf32>
      %swap3A_251 = arith.constant 40 : i32
      %swap3A_252 = arith.index_cast %swap3A_251 : i32 to index
      %swap3A_253 = arith.index_cast %mul3A_10 : i32 to index
      %swap3A_254 = tpu.vector_load %arg6[%swap3A_252, %swap3A_253] {strides = array<i32>} : memref<64x512xf32, #tpu.memory_space<vmem>>, vector<16xf32>,
      tpu.vector_store %arg6[%swap3A_252, %swap3A_253], %broadcast_in_dim3A_250 {strides = array<i32>} : memref<64x512xf32, #tpu.memory_space<vmem>>, vector<16xf32>,
      %broadcast_in_dim3A_255 = arith.constant 0.000000e+00 : f32
      %broadcast_in_dim3A_256 = vector.broadcast %broadcast_in_dim3A_255 : f32 to vector<16xf32>
      %swap3A_257 = arith.constant 41 : i32
      %swap3A_258 = arith.index_cast %swap3A_257 : i32 to index
      %swap3A_259 = arith.index_cast %mul3A_10 : i32 to index
      %swap3A_260 = tpu.vector_load %arg6[%swap3A_258, %swap3A_259] {strides = array<i32>} : memref<64x512xf32, #tpu.memory_space<vmem>>, vector<16xf32>,
      tpu.vector_store %arg6[%swap3A_258, %swap3A_259], %broadcast_in_dim3A_256 {strides = array<i32>} : memref<64x512xf32, #tpu.memory_space<vmem>>, vector<16xf32>,
      %broadcast_in_dim3A_261 = arith.constant 0.000000e+00 : f32
      %broadcast_in_dim3A_262 = vector.broadcast %broadcast_in_dim3A_261 : f32 to vector<16xf32>
      %swap3A_263 = arith.constant 42 : i32
      %swap3A_264 = arith.index_cast %swap3A_263 : i32 to index
      %swap3A_265 = arith.index_cast %mul3A_10 : i32 to index
      %swap3A_266 = tpu.vector_load %arg6[%swap3A_264, %swap3A_265] {strides = array<i32>} : memref<64x512xf32, #tpu.memory_space<vmem>>, vector<16xf32>,
      tpu.vector_store %arg6[%swap3A_264, %swap3A_265], %broadcast_in_dim3A_262 {strides = array<i32>} : memref<64x512xf32, #tpu.memory_space<vmem>>, vector<16xf32>,
      %broadcast_in_dim3A_267 = arith.constant 0.000000e+00 : f32
      %broadcast_in_dim3A_268 = vector.broadcast %broadcast_in_dim3A_267 : f32 to vector<16xf32>
      %swap3A_269 = arith.constant 43 : i32
      %swap3A_270 = arith.index_cast %swap3A_269 : i32 to index
      %swap3A_271 = arith.index_cast %mul3A_10 : i32 to index
      %swap3A_272 = tpu.vector_load %arg6[%swap3A_270, %swap3A_271] {strides = array<i32>} : memref<64x512xf32, #tpu.memory_space<vmem>>, vector<16xf32>,
      tpu.vector_store %arg6[%swap3A_270, %swap3A_271], %broadcast_in_dim3A_268 {strides = array<i32>} : memref<64x512xf32, #tpu.memory_space<vmem>>, vector<16xf32>,
      %broadcast_in_dim3A_273 = arith.constant 0.000000e+00 : f32
      %broadcast_in_dim3A_274 = vector.broadcast %broadcast_in_dim3A_273 : f32 to vector<16xf32>
      %swap3A_275 = arith.constant 44 : i32
      %swap3A_276 = arith.index_cast %swap3A_275 : i32 to index
      %swap3A_277 = arith.index_cast %mul3A_10 : i32 to index
      %swap3A_278 = tpu.vector_load %arg6[%swap3A_276, %swap3A_277] {strides = array<i32>} : memref<64x512xf32, #tpu.memory_space<vmem>>, vector<16xf32>,
      tpu.vector_store %arg6[%swap3A_276, %swap3A_277], %broadcast_in_dim3A_274 {strides = array<i32>} : memref<64x512xf32, #tpu.memory_space<vmem>>, vector<16xf32>,
      %broadcast_in_dim3A_279 = arith.constant 0.000000e+00 : f32
      %broadcast_in_dim3A_280 = vector.broadcast %broadcast_in_dim3A_279 : f32 to vector<16xf32>
      %swap3A_281 = arith.constant 45 : i32
      %swap3A_282 = arith.index_cast %swap3A_281 : i32 to index
      %swap3A_283 = arith.index_cast %mul3A_10 : i32 to index
      %swap3A_284 = tpu.vector_load %arg6[%swap3A_282, %swap3A_283] {strides = array<i32>} : memref<64x512xf32, #tpu.memory_space<vmem>>, vector<16xf32>,
      tpu.vector_store %arg6[%swap3A_282, %swap3A_283], %broadcast_in_dim3A_280 {strides = array<i32>} : memref<64x512xf32, #tpu.memory_space<vmem>>, vector<16xf32>,
      %broadcast_in_dim3A_285 = arith.constant 0.000000e+00 : f32
      %broadcast_in_dim3A_286 = vector.broadcast %broadcast_in_dim3A_285 : f32 to vector<16xf32>
      %swap3A_287 = arith.constant 46 : i32
      %swap3A_288 = arith.index_cast %swap3A_287 : i32 to index
      %swap3A_289 = arith.index_cast %mul3A_10 : i32 to index
      %swap3A_290 = tpu.vector_load %arg6[%swap3A_288, %swap3A_289] {strides = array<i32>} : memref<64x512xf32, #tpu.memory_space<vmem>>, vector<16xf32>,
      tpu.vector_store %arg6[%swap3A_288, %swap3A_289], %broadcast_in_dim3A_286 {strides = array<i32>} : memref<64x512xf32, #tpu.memory_space<vmem>>, vector<16xf32>,
      %broadcast_in_dim3A_291 = arith.constant 0.000000e+00 : f32
      %broadcast_in_dim3A_292 = vector.broadcast %broadcast_in_dim3A_291 : f32 to vector<16xf32>
      %swap3A_293 = arith.constant 47 : i32
      %swap3A_294 = arith.index_cast %swap3A_293 : i32 to index
      %swap3A_295 = arith.index_cast %mul3A_10 : i32 to index
      %swap3A_296 = tpu.vector_load %arg6[%swap3A_294, %swap3A_295] {strides = array<i32>} : memref<64x512xf32, #tpu.memory_space<vmem>>, vector<16xf32>,
      tpu.vector_store %arg6[%swap3A_294, %swap3A_295], %broadcast_in_dim3A_292 {strides = array<i32>} : memref<64x512xf32, #tpu.memory_space<vmem>>, vector<16xf32>,
      %broadcast_in_dim3A_297 = arith.constant 0.000000e+00 : f32
      %broadcast_in_dim3A_298 = vector.broadcast %broadcast_in_dim3A_297 : f32 to vector<16xf32>
      %swap3A_299 = arith.constant 48 : i32
      %swap3A_300 = arith.index_cast %swap3A_299 : i32 to index
      %swap3A_301 = arith.index_cast %mul3A_10 : i32 to index
      %swap3A_302 = tpu.vector_load %arg6[%swap3A_300, %swap3A_301] {strides = array<i32>} : memref<64x512xf32, #tpu.memory_space<vmem>>, vector<16xf32>,
      tpu.vector_store %arg6[%swap3A_300, %swap3A_301], %broadcast_in_dim3A_298 {strides = array<i32>} : memref<64x512xf32, #tpu.memory_space<vmem>>, vector<16xf32>,
      %broadcast_in_dim3A_303 = arith.constant 0.000000e+00 : f32
      %broadcast_in_dim3A_304 = vector.broadcast %broadcast_in_dim3A_303 : f32 to vector<16xf32>
      %swap3A_305 = arith.constant 49 : i32
      %swap3A_306 = arith.index_cast %swap3A_305 : i32 to index
      %swap3A_307 = arith.index_cast %mul3A_10 : i32 to index
      %swap3A_308 = tpu.vector_load %arg6[%swap3A_306, %swap3A_307] {strides = array<i32>} : memref<64x512xf32, #tpu.memory_space<vmem>>, vector<16xf32>,
      tpu.vector_store %arg6[%swap3A_306, %swap3A_307], %broadcast_in_dim3A_304 {strides = array<i32>} : memref<64x512xf32, #tpu.memory_space<vmem>>, vector<16xf32>,
      %broadcast_in_dim3A_309 = arith.constant 0.000000e+00 : f32
      %broadcast_in_dim3A_310 = vector.broadcast %broadcast_in_dim3A_309 : f32 to vector<16xf32>
      %swap3A_311 = arith.constant 50 : i32
      %swap3A_312 = arith.index_cast %swap3A_311 : i32 to index
      %swap3A_313 = arith.index_cast %mul3A_10 : i32 to index
      %swap3A_314 = tpu.vector_load %arg6[%swap3A_312, %swap3A_313] {strides = array<i32>} : memref<64x512xf32, #tpu.memory_space<vmem>>, vector<16xf32>,
      tpu.vector_store %arg6[%swap3A_312, %swap3A_313], %broadcast_in_dim3A_310 {strides = array<i32>} : memref<64x512xf32, #tpu.memory_space<vmem>>, vector<16xf32>,
      %broadcast_in_dim3A_315 = arith.constant 0.000000e+00 : f32
      %broadcast_in_dim3A_316 = vector.broadcast %broadcast_in_dim3A_315 : f32 to vector<16xf32>
      %swap3A_317 = arith.constant 51 : i32
      %swap3A_318 = arith.index_cast %swap3A_317 : i32 to index
      %swap3A_319 = arith.index_cast %mul3A_10 : i32 to index
      %swap3A_320 = tpu.vector_load %arg6[%swap3A_318, %swap3A_319] {strides = array<i32>} : memref<64x512xf32, #tpu.memory_space<vmem>>, vector<16xf32>,
      tpu.vector_store %arg6[%swap3A_318, %swap3A_319], %broadcast_in_dim3A_316 {strides = array<i32>} : memref<64x512xf32, #tpu.memory_space<vmem>>, vector<16xf32>,
      %broadcast_in_dim3A_321 = arith.constant 0.000000e+00 : f32
      %broadcast_in_dim3A_322 = vector.broadcast %broadcast_in_dim3A_321 : f32 to vector<16xf32>
      %swap3A_323 = arith.constant 52 : i32
      %swap3A_324 = arith.index_cast %swap3A_323 : i32 to index
      %swap3A_325 = arith.index_cast %mul3A_10 : i32 to index
      %swap3A_326 = tpu.vector_load %arg6[%swap3A_324, %swap3A_325] {strides = array<i32>} : memref<64x512xf32, #tpu.memory_space<vmem>>, vector<16xf32>,
      tpu.vector_store %arg6[%swap3A_324, %swap3A_325], %broadcast_in_dim3A_322 {strides = array<i32>} : memref<64x512xf32, #tpu.memory_space<vmem>>, vector<16xf32>,
      %broadcast_in_dim3A_327 = arith.constant 0.000000e+00 : f32
      %broadcast_in_dim3A_328 = vector.broadcast %broadcast_in_dim3A_327 : f32 to vector<16xf32>
      %swap3A_329 = arith.constant 53 : i32
      %swap3A_330 = arith.index_cast %swap3A_329 : i32 to index
      %swap3A_331 = arith.index_cast %mul3A_10 : i32 to index
      %swap3A_332 = tpu.vector_load %arg6[%swap3A_330, %swap3A_331] {strides = array<i32>} : memref<64x512xf32, #tpu.memory_space<vmem>>, vector<16xf32>,
      tpu.vector_store %arg6[%swap3A_330, %swap3A_331], %broadcast_in_dim3A_328 {strides = array<i32>} : memref<64x512xf32, #tpu.memory_space<vmem>>, vector<16xf32>,
      %broadcast_in_dim3A_333 = arith.constant 0.000000e+00 : f32
      %broadcast_in_dim3A_334 = vector.broadcast %broadcast_in_dim3A_333 : f32 to vector<16xf32>
      %swap3A_335 = arith.constant 54 : i32
      %swap3A_336 = arith.index_cast %swap3A_335 : i32 to index
      %swap3A_337 = arith.index_cast %mul3A_10 : i32 to index
      %swap3A_338 = tpu.vector_load %arg6[%swap3A_336, %swap3A_337] {strides = array<i32>} : memref<64x512xf32, #tpu.memory_space<vmem>>, vector<16xf32>,
      tpu.vector_store %arg6[%swap3A_336, %swap3A_337], %broadcast_in_dim3A_334 {strides = array<i32>} : memref<64x512xf32, #tpu.memory_space<vmem>>, vector<16xf32>,
      %broadcast_in_dim3A_339 = arith.constant 0.000000e+00 : f32
      %broadcast_in_dim3A_340 = vector.broadcast %broadcast_in_dim3A_339 : f32 to vector<16xf32>
      %swap3A_341 = arith.constant 55 : i32
      %swap3A_342 = arith.index_cast %swap3A_341 : i32 to index
      %swap3A_343 = arith.index_cast %mul3A_10 : i32 to index
      %swap3A_344 = tpu.vector_load %arg6[%swap3A_342, %swap3A_343] {strides = array<i32>} : memref<64x512xf32, #tpu.memory_space<vmem>>, vector<16xf32>,
      tpu.vector_store %arg6[%swap3A_342, %swap3A_343], %broadcast_in_dim3A_340 {strides = array<i32>} : memref<64x512xf32, #tpu.memory_space<vmem>>, vector<16xf32>,
      %broadcast_in_dim3A_345 = arith.constant 0.000000e+00 : f32
      %broadcast_in_dim3A_346 = vector.broadcast %broadcast_in_dim3A_345 : f32 to vector<16xf32>
      %swap3A_347 = arith.constant 56 : i32
      %swap3A_348 = arith.index_cast %swap3A_347 : i32 to index
      %swap3A_349 = arith.index_cast %mul3A_10 : i32 to index
      %swap3A_350 = tpu.vector_load %arg6[%swap3A_348, %swap3A_349] {strides = array<i32>} : memref<64x512xf32, #tpu.memory_space<vmem>>, vector<16xf32>,
      tpu.vector_store %arg6[%swap3A_348, %swap3A_349], %broadcast_in_dim3A_346 {strides = array<i32>} : memref<64x512xf32, #tpu.memory_space<vmem>>, vector<16xf32>,
      %broadcast_in_dim3A_351 = arith.constant 0.000000e+00 : f32
      %broadcast_in_dim3A_352 = vector.broadcast %broadcast_in_dim3A_351 : f32 to vector<16xf32>
      %swap3A_353 = arith.constant 57 : i32
      %swap3A_354 = arith.index_cast %swap3A_353 : i32 to index
      %swap3A_355 = arith.index_cast %mul3A_10 : i32 to index
      %swap3A_356 = tpu.vector_load %arg6[%swap3A_354, %swap3A_355] {strides = array<i32>} : memref<64x512xf32, #tpu.memory_space<vmem>>, vector<16xf32>,
      tpu.vector_store %arg6[%swap3A_354, %swap3A_355], %broadcast_in_dim3A_352 {strides = array<i32>} : memref<64x512xf32, #tpu.memory_space<vmem>>, vector<16xf32>,
      %broadcast_in_dim3A_357 = arith.constant 0.000000e+00 : f32
      %broadcast_in_dim3A_358 = vector.broadcast %broadcast_in_dim3A_357 : f32 to vector<16xf32>
      %swap3A_359 = arith.constant 58 : i32
      %swap3A_360 = arith.index_cast %swap3A_359 : i32 to index
      %swap3A_361 = arith.index_cast %mul3A_10 : i32 to index
      %swap3A_362 = tpu.vector_load %arg6[%swap3A_360, %swap3A_361] {strides = array<i32>} : memref<64x512xf32, #tpu.memory_space<vmem>>, vector<16xf32>,
      tpu.vector_store %arg6[%swap3A_360, %swap3A_361], %broadcast_in_dim3A_358 {strides = array<i32>} : memref<64x512xf32, #tpu.memory_space<vmem>>, vector<16xf32>,
      %broadcast_in_dim3A_363 = arith.constant 0.000000e+00 : f32
      %broadcast_in_dim3A_364 = vector.broadcast %broadcast_in_dim3A_363 : f32 to vector<16xf32>
      %swap3A_365 = arith.constant 59 : i32
      %swap3A_366 = arith.index_cast %swap3A_365 : i32 to index
      %swap3A_367 = arith.index_cast %mul3A_10 : i32 to index
      %swap3A_368 = tpu.vector_load %arg6[%swap3A_366, %swap3A_367] {strides = array<i32>} : memref<64x512xf32, #tpu.memory_space<vmem>>, vector<16xf32>,
      tpu.vector_store %arg6[%swap3A_366, %swap3A_367], %broadcast_in_dim3A_364 {strides = array<i32>} : memref<64x512xf32, #tpu.memory_space<vmem>>, vector<16xf32>,
      %broadcast_in_dim3A_369 = arith.constant 0.000000e+00 : f32
      %broadcast_in_dim3A_370 = vector.broadcast %broadcast_in_dim3A_369 : f32 to vector<16xf32>
      %swap3A_371 = arith.constant 60 : i32
      %swap3A_372 = arith.index_cast %swap3A_371 : i32 to index
      %swap3A_373 = arith.index_cast %mul3A_10 : i32 to index
      %swap3A_374 = tpu.vector_load %arg6[%swap3A_372, %swap3A_373] {strides = array<i32>} : memref<64x512xf32, #tpu.memory_space<vmem>>, vector<16xf32>,
      tpu.vector_store %arg6[%swap3A_372, %swap3A_373], %broadcast_in_dim3A_370 {strides = array<i32>} : memref<64x512xf32, #tpu.memory_space<vmem>>, vector<16xf32>,
      %broadcast_in_dim3A_375 = arith.constant 0.000000e+00 : f32
      %broadcast_in_dim3A_376 = vector.broadcast %broadcast_in_dim3A_375 : f32 to vector<16xf32>
      %swap3A_377 = arith.constant 61 : i32
      %swap3A_378 = arith.index_cast %swap3A_377 : i32 to index
      %swap3A_379 = arith.index_cast %mul3A_10 : i32 to index
      %swap3A_380 = tpu.vector_load %arg6[%swap3A_378, %swap3A_379] {strides = array<i32>} : memref<64x512xf32, #tpu.memory_space<vmem>>, vector<16xf32>,
      tpu.vector_store %arg6[%swap3A_378, %swap3A_379], %broadcast_in_dim3A_376 {strides = array<i32>} : memref<64x512xf32, #tpu.memory_space<vmem>>, vector<16xf32>,
      %broadcast_in_dim3A_381 = arith.constant 0.000000e+00 : f32
      %broadcast_in_dim3A_382 = vector.broadcast %broadcast_in_dim3A_381 : f32 to vector<16xf32>
      %swap3A_383 = arith.constant 62 : i32
      %swap3A_384 = arith.index_cast %swap3A_383 : i32 to index
      %swap3A_385 = arith.index_cast %mul3A_10 : i32 to index
      %swap3A_386 = tpu.vector_load %arg6[%swap3A_384, %swap3A_385] {strides = array<i32>} : memref<64x512xf32, #tpu.memory_space<vmem>>, vector<16xf32>,
      tpu.vector_store %arg6[%swap3A_384, %swap3A_385], %broadcast_in_dim3A_382 {strides = array<i32>} : memref<64x512xf32, #tpu.memory_space<vmem>>, vector<16xf32>,
      %broadcast_in_dim3A_387 = arith.constant 0.000000e+00 : f32
      %broadcast_in_dim3A_388 = vector.broadcast %broadcast_in_dim3A_387 : f32 to vector<16xf32>
      %swap3A_389 = arith.constant 63 : i32
      %swap3A_390 = arith.index_cast %swap3A_389 : i32 to index
      %swap3A_391 = arith.index_cast %mul3A_10 : i32 to index
      %swap3A_392 = tpu.vector_load %arg6[%swap3A_390, %swap3A_391] {strides = array<i32>} : memref<64x512xf32, #tpu.memory_space<vmem>>, vector<16xf32>,
      tpu.vector_store %arg6[%swap3A_390, %swap3A_391], %broadcast_in_dim3A_388 {strides = array<i32>} : memref<64x512xf32, #tpu.memory_space<vmem>>, vector<16xf32>,
      %get3A = arith.constant 0 : i32
      %get3A_393 = arith.index_cast %get3A : i32 to index
      %get3A_394 = arith.index_cast %mul3A_10 : i32 to index
      %get3A_395 = tpu.vector_load %arg5[%get3A_393, %get3A_394] {strides = array<i32>} : memref<64x512xf32, #tpu.memory_space<vmem>>, vector<16xf32>,
      %broadcast_in_dim3A_396 = arith.constant 0 : i32
      %broadcast_in_dim3A_397 = vector.broadcast %broadcast_in_dim3A_396 : i32 to vector<16xi32>
      %broadcast_in_dim3A_398 = arith.constant 0xFF800000 : f32
      %broadcast_in_dim3A_399 = vector.broadcast %broadcast_in_dim3A_398 : f32 to vector<16xf32>
      %broadcast_in_dim3A_400 = arith.constant 0 : i32
      %broadcast_in_dim3A_401 = vector.broadcast %broadcast_in_dim3A_400 : i32 to vector<16xi32>
      %get3A_402 = arith.constant 1 : i32
      %get3A_403 = arith.index_cast %get3A_402 : i32 to index
      %get3A_404 = arith.index_cast %mul3A_10 : i32 to index
      %get3A_405 = tpu.vector_load %arg5[%get3A_403, %get3A_404] {strides = array<i32>} : memref<64x512xf32, #tpu.memory_space<vmem>>, vector<16xf32>,
      %broadcast_in_dim3A_406 = arith.constant 1 : i32
      %broadcast_in_dim3A_407 = vector.broadcast %broadcast_in_dim3A_406 : i32 to vector<16xi32>
      %gt3A = arith.cmpf ogt, %get3A_405, %get3A_395 : vector<16xf32>
      %gt3A_408 = arith.cmpf ogt, %get3A_405, %broadcast_in_dim3A_399 : vector<16xf32>
      %select_n3A = arith.select %gt3A, %get3A_395, %get3A_405 : vector<16xi1>, vector<16xf32>
      %select_n3A_409 = arith.select %gt3A_408, %select_n3A, %broadcast_in_dim3A_399 : vector<16xi1>, vector<16xf32>
      %select_n3A_410 = arith.select %gt3A, %broadcast_in_dim3A_397, %broadcast_in_dim3A_407 : vector<16xi1>, vector<16xi32>
      %select_n3A_411 = arith.select %gt3A_408, %select_n3A_410, %broadcast_in_dim3A_401 : vector<16xi1>, vector<16xi32>
      %select_n3A_412 = arith.select %gt3A, %get3A_405, %get3A_395 : vector<16xi1>, vector<16xf32>
      %select_n3A_413 = arith.select %gt3A, %broadcast_in_dim3A_407, %broadcast_in_dim3A_397 : vector<16xi1>, vector<16xi32>
      %get3A_414 = arith.constant 2 : i32
      %get3A_415 = arith.index_cast %get3A_414 : i32 to index
      %get3A_416 = arith.index_cast %mul3A_10 : i32 to index
      %get3A_417 = tpu.vector_load %arg5[%get3A_415, %get3A_416] {strides = array<i32>} : memref<64x512xf32, #tpu.memory_space<vmem>>, vector<16xf32>,
      %broadcast_in_dim3A_418 = arith.constant 2 : i32
      %broadcast_in_dim3A_419 = vector.broadcast %broadcast_in_dim3A_418 : i32 to vector<16xi32>
      %gt3A_420 = arith.cmpf ogt, %get3A_417, %select_n3A_412 : vector<16xf32>
      %gt3A_421 = arith.cmpf ogt, %get3A_417, %select_n3A_409 : vector<16xf32>
      %select_n3A_422 = arith.select %gt3A_420, %select_n3A_412, %get3A_417 : vector<16xi1>, vector<16xf32>
      %select_n3A_423 = arith.select %gt3A_421, %select_n3A_422, %select_n3A_409 : vector<16xi1>, vector<16xf32>
      %select_n3A_424 = arith.select %gt3A_420, %select_n3A_413, %broadcast_in_dim3A_419 : vector<16xi1>, vector<16xi32>
      %select_n3A_425 = arith.select %gt3A_421, %select_n3A_424, %select_n3A_411 : vector<16xi1>, vector<16xi32>
      %select_n3A_426 = arith.select %gt3A_420, %get3A_417, %select_n3A_412 : vector<16xi1>, vector<16xf32>
      %select_n3A_427 = arith.select %gt3A_420, %broadcast_in_dim3A_419, %select_n3A_413 : vector<16xi1>, vector<16xi32>
      %get3A_428 = arith.constant 3 : i32
      %get3A_429 = arith.index_cast %get3A_428 : i32 to index
      %get3A_430 = arith.index_cast %mul3A_10 : i32 to index
      %get3A_431 = tpu.vector_load %arg5[%get3A_429, %get3A_430] {strides = array<i32>} : memref<64x512xf32, #tpu.memory_space<vmem>>, vector<16xf32>,
      %broadcast_in_dim3A_432 = arith.constant 3 : i32
      %broadcast_in_dim3A_433 = vector.broadcast %broadcast_in_dim3A_432 : i32 to vector<16xi32>
      %gt3A_434 = arith.cmpf ogt, %get3A_431, %select_n3A_426 : vector<16xf32>
      %gt3A_435 = arith.cmpf ogt, %get3A_431, %select_n3A_423 : vector<16xf32>
      %select_n3A_436 = arith.select %gt3A_434, %select_n3A_426, %get3A_431 : vector<16xi1>, vector<16xf32>
      %select_n3A_437 = arith.select %gt3A_435, %select_n3A_436, %select_n3A_423 : vector<16xi1>, vector<16xf32>
      %select_n3A_438 = arith.select %gt3A_434, %select_n3A_427, %broadcast_in_dim3A_433 : vector<16xi1>, vector<16xi32>
      %select_n3A_439 = arith.select %gt3A_435, %select_n3A_438, %select_n3A_425 : vector<16xi1>, vector<16xi32>
      %select_n3A_440 = arith.select %gt3A_434, %get3A_431, %select_n3A_426 : vector<16xi1>, vector<16xf32>
      %select_n3A_441 = arith.select %gt3A_434, %broadcast_in_dim3A_433, %select_n3A_427 : vector<16xi1>, vector<16xi32>
      %get3A_442 = arith.constant 4 : i32
      %get3A_443 = arith.index_cast %get3A_442 : i32 to index
      %get3A_444 = arith.index_cast %mul3A_10 : i32 to index
      %get3A_445 = tpu.vector_load %arg5[%get3A_443, %get3A_444] {strides = array<i32>} : memref<64x512xf32, #tpu.memory_space<vmem>>, vector<16xf32>,
      %broadcast_in_dim3A_446 = arith.constant 4 : i32
      %broadcast_in_dim3A_447 = vector.broadcast %broadcast_in_dim3A_446 : i32 to vector<16xi32>
      %gt3A_448 = arith.cmpf ogt, %get3A_445, %select_n3A_440 : vector<16xf32>
      %gt3A_449 = arith.cmpf ogt, %get3A_445, %select_n3A_437 : vector<16xf32>
      %select_n3A_450 = arith.select %gt3A_448, %select_n3A_440, %get3A_445 : vector<16xi1>, vector<16xf32>
      %select_n3A_451 = arith.select %gt3A_449, %select_n3A_450, %select_n3A_437 : vector<16xi1>, vector<16xf32>
      %select_n3A_452 = arith.select %gt3A_448, %select_n3A_441, %broadcast_in_dim3A_447 : vector<16xi1>, vector<16xi32>
      %select_n3A_453 = arith.select %gt3A_449, %select_n3A_452, %select_n3A_439 : vector<16xi1>, vector<16xi32>
      %select_n3A_454 = arith.select %gt3A_448, %get3A_445, %select_n3A_440 : vector<16xi1>, vector<16xf32>
      %select_n3A_455 = arith.select %gt3A_448, %broadcast_in_dim3A_447, %select_n3A_441 : vector<16xi1>, vector<16xi32>
      %get3A_456 = arith.constant 5 : i32
      %get3A_457 = arith.index_cast %get3A_456 : i32 to index
      %get3A_458 = arith.index_cast %mul3A_10 : i32 to index
      %get3A_459 = tpu.vector_load %arg5[%get3A_457, %get3A_458] {strides = array<i32>} : memref<64x512xf32, #tpu.memory_space<vmem>>, vector<16xf32>,
      %broadcast_in_dim3A_460 = arith.constant 5 : i32
      %broadcast_in_dim3A_461 = vector.broadcast %broadcast_in_dim3A_460 : i32 to vector<16xi32>
      %gt3A_462 = arith.cmpf ogt, %get3A_459, %select_n3A_454 : vector<16xf32>
      %gt3A_463 = arith.cmpf ogt, %get3A_459, %select_n3A_451 : vector<16xf32>
      %select_n3A_464 = arith.select %gt3A_462, %select_n3A_454, %get3A_459 : vector<16xi1>, vector<16xf32>
      %select_n3A_465 = arith.select %gt3A_463, %select_n3A_464, %select_n3A_451 : vector<16xi1>, vector<16xf32>
      %select_n3A_466 = arith.select %gt3A_462, %select_n3A_455, %broadcast_in_dim3A_461 : vector<16xi1>, vector<16xi32>
      %select_n3A_467 = arith.select %gt3A_463, %select_n3A_466, %select_n3A_453 : vector<16xi1>, vector<16xi32>
      %select_n3A_468 = arith.select %gt3A_462, %get3A_459, %select_n3A_454 : vector<16xi1>, vector<16xf32>
      %select_n3A_469 = arith.select %gt3A_462, %broadcast_in_dim3A_461, %select_n3A_455 : vector<16xi1>, vector<16xi32>
      %get3A_470 = arith.constant 6 : i32
      %get3A_471 = arith.index_cast %get3A_470 : i32 to index
      %get3A_472 = arith.index_cast %mul3A_10 : i32 to index
      %get3A_473 = tpu.vector_load %arg5[%get3A_471, %get3A_472] {strides = array<i32>} : memref<64x512xf32, #tpu.memory_space<vmem>>, vector<16xf32>,
      %broadcast_in_dim3A_474 = arith.constant 6 : i32
      %broadcast_in_dim3A_475 = vector.broadcast %broadcast_in_dim3A_474 : i32 to vector<16xi32>
      %gt3A_476 = arith.cmpf ogt, %get3A_473, %select_n3A_468 : vector<16xf32>
      %gt3A_477 = arith.cmpf ogt, %get3A_473, %select_n3A_465 : vector<16xf32>
      %select_n3A_478 = arith.select %gt3A_476, %select_n3A_468, %get3A_473 : vector<16xi1>, vector<16xf32>
      %select_n3A_479 = arith.select %gt3A_477, %select_n3A_478, %select_n3A_465 : vector<16xi1>, vector<16xf32>
      %select_n3A_480 = arith.select %gt3A_476, %select_n3A_469, %broadcast_in_dim3A_475 : vector<16xi1>, vector<16xi32>
      %select_n3A_481 = arith.select %gt3A_477, %select_n3A_480, %select_n3A_467 : vector<16xi1>, vector<16xi32>
      %select_n3A_482 = arith.select %gt3A_476, %get3A_473, %select_n3A_468 : vector<16xi1>, vector<16xf32>
      %select_n3A_483 = arith.select %gt3A_476, %broadcast_in_dim3A_475, %select_n3A_469 : vector<16xi1>, vector<16xi32>
      %get3A_484 = arith.constant 7 : i32
      %get3A_485 = arith.index_cast %get3A_484 : i32 to index
      %get3A_486 = arith.index_cast %mul3A_10 : i32 to index
      %get3A_487 = tpu.vector_load %arg5[%get3A_485, %get3A_486] {strides = array<i32>} : memref<64x512xf32, #tpu.memory_space<vmem>>, vector<16xf32>,
      %broadcast_in_dim3A_488 = arith.constant 7 : i32
      %broadcast_in_dim3A_489 = vector.broadcast %broadcast_in_dim3A_488 : i32 to vector<16xi32>
      %gt3A_490 = arith.cmpf ogt, %get3A_487, %select_n3A_482 : vector<16xf32>
      %gt3A_491 = arith.cmpf ogt, %get3A_487, %select_n3A_479 : vector<16xf32>
      %select_n3A_492 = arith.select %gt3A_490, %select_n3A_482, %get3A_487 : vector<16xi1>, vector<16xf32>
      %select_n3A_493 = arith.select %gt3A_491, %select_n3A_492, %select_n3A_479 : vector<16xi1>, vector<16xf32>
      %select_n3A_494 = arith.select %gt3A_490, %select_n3A_483, %broadcast_in_dim3A_489 : vector<16xi1>, vector<16xi32>
      %select_n3A_495 = arith.select %gt3A_491, %select_n3A_494, %select_n3A_481 : vector<16xi1>, vector<16xi32>
      %select_n3A_496 = arith.select %gt3A_490, %get3A_487, %select_n3A_482 : vector<16xi1>, vector<16xf32>
      %select_n3A_497 = arith.select %gt3A_490, %broadcast_in_dim3A_489, %select_n3A_483 : vector<16xi1>, vector<16xi32>
      %get3A_498 = arith.constant 8 : i32
      %get3A_499 = arith.index_cast %get3A_498 : i32 to index
      %get3A_500 = arith.index_cast %mul3A_10 : i32 to index
      %get3A_501 = tpu.vector_load %arg5[%get3A_499, %get3A_500] {strides = array<i32>} : memref<64x512xf32, #tpu.memory_space<vmem>>, vector<16xf32>,
      %broadcast_in_dim3A_502 = arith.constant 8 : i32
      %broadcast_in_dim3A_503 = vector.broadcast %broadcast_in_dim3A_502 : i32 to vector<16xi32>
      %gt3A_504 = arith.cmpf ogt, %get3A_501, %select_n3A_496 : vector<16xf32>
      %gt3A_505 = arith.cmpf ogt, %get3A_501, %select_n3A_493 : vector<16xf32>
      %select_n3A_506 = arith.select %gt3A_504, %select_n3A_496, %get3A_501 : vector<16xi1>, vector<16xf32>
      %select_n3A_507 = arith.select %gt3A_505, %select_n3A_506, %select_n3A_493 : vector<16xi1>, vector<16xf32>
      %select_n3A_508 = arith.select %gt3A_504, %select_n3A_497, %broadcast_in_dim3A_503 : vector<16xi1>, vector<16xi32>
      %select_n3A_509 = arith.select %gt3A_505, %select_n3A_508, %select_n3A_495 : vector<16xi1>, vector<16xi32>
      %select_n3A_510 = arith.select %gt3A_504, %get3A_501, %select_n3A_496 : vector<16xi1>, vector<16xf32>
      %select_n3A_511 = arith.select %gt3A_504, %broadcast_in_dim3A_503, %select_n3A_497 : vector<16xi1>, vector<16xi32>
      %get3A_512 = arith.constant 9 : i32
      %get3A_513 = arith.index_cast %get3A_512 : i32 to index
      %get3A_514 = arith.index_cast %mul3A_10 : i32 to index
      %get3A_515 = tpu.vector_load %arg5[%get3A_513, %get3A_514] {strides = array<i32>} : memref<64x512xf32, #tpu.memory_space<vmem>>, vector<16xf32>,
      %broadcast_in_dim3A_516 = arith.constant 9 : i32
      %broadcast_in_dim3A_517 = vector.broadcast %broadcast_in_dim3A_516 : i32 to vector<16xi32>
      %gt3A_518 = arith.cmpf ogt, %get3A_515, %select_n3A_510 : vector<16xf32>
      %gt3A_519 = arith.cmpf ogt, %get3A_515, %select_n3A_507 : vector<16xf32>
      %select_n3A_520 = arith.select %gt3A_518, %select_n3A_510, %get3A_515 : vector<16xi1>, vector<16xf32>
      %select_n3A_521 = arith.select %gt3A_519, %select_n3A_520, %select_n3A_507 : vector<16xi1>, vector<16xf32>
      %select_n3A_522 = arith.select %gt3A_518, %select_n3A_511, %broadcast_in_dim3A_517 : vector<16xi1>, vector<16xi32>
      %select_n3A_523 = arith.select %gt3A_519, %select_n3A_522, %select_n3A_509 : vector<16xi1>, vector<16xi32>
      %select_n3A_524 = arith.select %gt3A_518, %get3A_515, %select_n3A_510 : vector<16xi1>, vector<16xf32>
      %select_n3A_525 = arith.select %gt3A_518, %broadcast_in_dim3A_517, %select_n3A_511 : vector<16xi1>, vector<16xi32>
      %get3A_526 = arith.constant 10 : i32
      %get3A_527 = arith.index_cast %get3A_526 : i32 to index
      %get3A_528 = arith.index_cast %mul3A_10 : i32 to index
      %get3A_529 = tpu.vector_load %arg5[%get3A_527, %get3A_528] {strides = array<i32>} : memref<64x512xf32, #tpu.memory_space<vmem>>, vector<16xf32>,
      %broadcast_in_dim3A_530 = arith.constant 10 : i32
      %broadcast_in_dim3A_531 = vector.broadcast %broadcast_in_dim3A_530 : i32 to vector<16xi32>
      %gt3A_532 = arith.cmpf ogt, %get3A_529, %select_n3A_524 : vector<16xf32>
      %gt3A_533 = arith.cmpf ogt, %get3A_529, %select_n3A_521 : vector<16xf32>
      %select_n3A_534 = arith.select %gt3A_532, %select_n3A_524, %get3A_529 : vector<16xi1>, vector<16xf32>
      %select_n3A_535 = arith.select %gt3A_533, %select_n3A_534, %select_n3A_521 : vector<16xi1>, vector<16xf32>
      %select_n3A_536 = arith.select %gt3A_532, %select_n3A_525, %broadcast_in_dim3A_531 : vector<16xi1>, vector<16xi32>
      %select_n3A_537 = arith.select %gt3A_533, %select_n3A_536, %select_n3A_523 : vector<16xi1>, vector<16xi32>
      %select_n3A_538 = arith.select %gt3A_532, %get3A_529, %select_n3A_524 : vector<16xi1>, vector<16xf32>
      %select_n3A_539 = arith.select %gt3A_532, %broadcast_in_dim3A_531, %select_n3A_525 : vector<16xi1>, vector<16xi32>
      %get3A_540 = arith.constant 11 : i32
      %get3A_541 = arith.index_cast %get3A_540 : i32 to index
      %get3A_542 = arith.index_cast %mul3A_10 : i32 to index
      %get3A_543 = tpu.vector_load %arg5[%get3A_541, %get3A_542] {strides = array<i32>} : memref<64x512xf32, #tpu.memory_space<vmem>>, vector<16xf32>,
      %broadcast_in_dim3A_544 = arith.constant 11 : i32
      %broadcast_in_dim3A_545 = vector.broadcast %broadcast_in_dim3A_544 : i32 to vector<16xi32>
      %gt3A_546 = arith.cmpf ogt, %get3A_543, %select_n3A_538 : vector<16xf32>
      %gt3A_547 = arith.cmpf ogt, %get3A_543, %select_n3A_535 : vector<16xf32>
      %select_n3A_548 = arith.select %gt3A_546, %select_n3A_538, %get3A_543 : vector<16xi1>, vector<16xf32>
      %select_n3A_549 = arith.select %gt3A_547, %select_n3A_548, %select_n3A_535 : vector<16xi1>, vector<16xf32>
      %select_n3A_550 = arith.select %gt3A_546, %select_n3A_539, %broadcast_in_dim3A_545 : vector<16xi1>, vector<16xi32>
      %select_n3A_551 = arith.select %gt3A_547, %select_n3A_550, %select_n3A_537 : vector<16xi1>, vector<16xi32>
      %select_n3A_552 = arith.select %gt3A_546, %get3A_543, %select_n3A_538 : vector<16xi1>, vector<16xf32>
      %select_n3A_553 = arith.select %gt3A_546, %broadcast_in_dim3A_545, %select_n3A_539 : vector<16xi1>, vector<16xi32>
      %get3A_554 = arith.constant 12 : i32
      %get3A_555 = arith.index_cast %get3A_554 : i32 to index
      %get3A_556 = arith.index_cast %mul3A_10 : i32 to index
      %get3A_557 = tpu.vector_load %arg5[%get3A_555, %get3A_556] {strides = array<i32>} : memref<64x512xf32, #tpu.memory_space<vmem>>, vector<16xf32>,
      %broadcast_in_dim3A_558 = arith.constant 12 : i32
      %broadcast_in_dim3A_559 = vector.broadcast %broadcast_in_dim3A_558 : i32 to vector<16xi32>
      %gt3A_560 = arith.cmpf ogt, %get3A_557, %select_n3A_552 : vector<16xf32>
      %gt3A_561 = arith.cmpf ogt, %get3A_557, %select_n3A_549 : vector<16xf32>
      %select_n3A_562 = arith.select %gt3A_560, %select_n3A_552, %get3A_557 : vector<16xi1>, vector<16xf32>
      %select_n3A_563 = arith.select %gt3A_561, %select_n3A_562, %select_n3A_549 : vector<16xi1>, vector<16xf32>
      %select_n3A_564 = arith.select %gt3A_560, %select_n3A_553, %broadcast_in_dim3A_559 : vector<16xi1>, vector<16xi32>
      %select_n3A_565 = arith.select %gt3A_561, %select_n3A_564, %select_n3A_551 : vector<16xi1>, vector<16xi32>
      %select_n3A_566 = arith.select %gt3A_560, %get3A_557, %select_n3A_552 : vector<16xi1>, vector<16xf32>
      %select_n3A_567 = arith.select %gt3A_560, %broadcast_in_dim3A_559, %select_n3A_553 : vector<16xi1>, vector<16xi32>
      %get3A_568 = arith.constant 13 : i32
      %get3A_569 = arith.index_cast %get3A_568 : i32 to index
      %get3A_570 = arith.index_cast %mul3A_10 : i32 to index
      %get3A_571 = tpu.vector_load %arg5[%get3A_569, %get3A_570] {strides = array<i32>} : memref<64x512xf32, #tpu.memory_space<vmem>>, vector<16xf32>,
      %broadcast_in_dim3A_572 = arith.constant 13 : i32
      %broadcast_in_dim3A_573 = vector.broadcast %broadcast_in_dim3A_572 : i32 to vector<16xi32>
      %gt3A_574 = arith.cmpf ogt, %get3A_571, %select_n3A_566 : vector<16xf32>
      %gt3A_575 = arith.cmpf ogt, %get3A_571, %select_n3A_563 : vector<16xf32>
      %select_n3A_576 = arith.select %gt3A_574, %select_n3A_566, %get3A_571 : vector<16xi1>, vector<16xf32>
      %select_n3A_577 = arith.select %gt3A_575, %select_n3A_576, %select_n3A_563 : vector<16xi1>, vector<16xf32>
      %select_n3A_578 = arith.select %gt3A_574, %select_n3A_567, %broadcast_in_dim3A_573 : vector<16xi1>, vector<16xi32>
      %select_n3A_579 = arith.select %gt3A_575, %select_n3A_578, %select_n3A_565 : vector<16xi1>, vector<16xi32>
      %select_n3A_580 = arith.select %gt3A_574, %get3A_571, %select_n3A_566 : vector<16xi1>, vector<16xf32>
      %select_n3A_581 = arith.select %gt3A_574, %broadcast_in_dim3A_573, %select_n3A_567 : vector<16xi1>, vector<16xi32>
      %get3A_582 = arith.constant 14 : i32
      %get3A_583 = arith.index_cast %get3A_582 : i32 to index
      %get3A_584 = arith.index_cast %mul3A_10 : i32 to index
      %get3A_585 = tpu.vector_load %arg5[%get3A_583, %get3A_584] {strides = array<i32>} : memref<64x512xf32, #tpu.memory_space<vmem>>, vector<16xf32>,
      %broadcast_in_dim3A_586 = arith.constant 14 : i32
      %broadcast_in_dim3A_587 = vector.broadcast %broadcast_in_dim3A_586 : i32 to vector<16xi32>
      %gt3A_588 = arith.cmpf ogt, %get3A_585, %select_n3A_580 : vector<16xf32>
      %gt3A_589 = arith.cmpf ogt, %get3A_585, %select_n3A_577 : vector<16xf32>
      %select_n3A_590 = arith.select %gt3A_588, %select_n3A_580, %get3A_585 : vector<16xi1>, vector<16xf32>
      %select_n3A_591 = arith.select %gt3A_589, %select_n3A_590, %select_n3A_577 : vector<16xi1>, vector<16xf32>
      %select_n3A_592 = arith.select %gt3A_588, %select_n3A_581, %broadcast_in_dim3A_587 : vector<16xi1>, vector<16xi32>
      %select_n3A_593 = arith.select %gt3A_589, %select_n3A_592, %select_n3A_579 : vector<16xi1>, vector<16xi32>
      %select_n3A_594 = arith.select %gt3A_588, %get3A_585, %select_n3A_580 : vector<16xi1>, vector<16xf32>
      %select_n3A_595 = arith.select %gt3A_588, %broadcast_in_dim3A_587, %select_n3A_581 : vector<16xi1>, vector<16xi32>
      %get3A_596 = arith.constant 15 : i32
      %get3A_597 = arith.index_cast %get3A_596 : i32 to index
      %get3A_598 = arith.index_cast %mul3A_10 : i32 to index
      %get3A_599 = tpu.vector_load %arg5[%get3A_597, %get3A_598] {strides = array<i32>} : memref<64x512xf32, #tpu.memory_space<vmem>>, vector<16xf32>,
      %broadcast_in_dim3A_600 = arith.constant 15 : i32
      %broadcast_in_dim3A_601 = vector.broadcast %broadcast_in_dim3A_600 : i32 to vector<16xi32>
      %gt3A_602 = arith.cmpf ogt, %get3A_599, %select_n3A_594 : vector<16xf32>
      %gt3A_603 = arith.cmpf ogt, %get3A_599, %select_n3A_591 : vector<16xf32>
      %select_n3A_604 = arith.select %gt3A_602, %select_n3A_594, %get3A_599 : vector<16xi1>, vector<16xf32>
      %select_n3A_605 = arith.select %gt3A_603, %select_n3A_604, %select_n3A_591 : vector<16xi1>, vector<16xf32>
      %select_n3A_606 = arith.select %gt3A_602, %select_n3A_595, %broadcast_in_dim3A_601 : vector<16xi1>, vector<16xi32>
      %select_n3A_607 = arith.select %gt3A_603, %select_n3A_606, %select_n3A_593 : vector<16xi1>, vector<16xi32>
      %select_n3A_608 = arith.select %gt3A_602, %get3A_599, %select_n3A_594 : vector<16xi1>, vector<16xf32>
      %select_n3A_609 = arith.select %gt3A_602, %broadcast_in_dim3A_601, %select_n3A_595 : vector<16xi1>, vector<16xi32>
      %get3A_610 = arith.constant 16 : i32
      %get3A_611 = arith.index_cast %get3A_610 : i32 to index
      %get3A_612 = arith.index_cast %mul3A_10 : i32 to index
      %get3A_613 = tpu.vector_load %arg5[%get3A_611, %get3A_612] {strides = array<i32>} : memref<64x512xf32, #tpu.memory_space<vmem>>, vector<16xf32>,
      %broadcast_in_dim3A_614 = arith.constant 16 : i32
      %broadcast_in_dim3A_615 = vector.broadcast %broadcast_in_dim3A_614 : i32 to vector<16xi32>
      %gt3A_616 = arith.cmpf ogt, %get3A_613, %select_n3A_608 : vector<16xf32>
      %gt3A_617 = arith.cmpf ogt, %get3A_613, %select_n3A_605 : vector<16xf32>
      %select_n3A_618 = arith.select %gt3A_616, %select_n3A_608, %get3A_613 : vector<16xi1>, vector<16xf32>
      %select_n3A_619 = arith.select %gt3A_617, %select_n3A_618, %select_n3A_605 : vector<16xi1>, vector<16xf32>
      %select_n3A_620 = arith.select %gt3A_616, %select_n3A_609, %broadcast_in_dim3A_615 : vector<16xi1>, vector<16xi32>
      %select_n3A_621 = arith.select %gt3A_617, %select_n3A_620, %select_n3A_607 : vector<16xi1>, vector<16xi32>
      %select_n3A_622 = arith.select %gt3A_616, %get3A_613, %select_n3A_608 : vector<16xi1>, vector<16xf32>
      %select_n3A_623 = arith.select %gt3A_616, %broadcast_in_dim3A_615, %select_n3A_609 : vector<16xi1>, vector<16xi32>
      %get3A_624 = arith.constant 17 : i32
      %get3A_625 = arith.index_cast %get3A_624 : i32 to index
      %get3A_626 = arith.index_cast %mul3A_10 : i32 to index
      %get3A_627 = tpu.vector_load %arg5[%get3A_625, %get3A_626] {strides = array<i32>} : memref<64x512xf32, #tpu.memory_space<vmem>>, vector<16xf32>,
      %broadcast_in_dim3A_628 = arith.constant 17 : i32
      %broadcast_in_dim3A_629 = vector.broadcast %broadcast_in_dim3A_628 : i32 to vector<16xi32>
      %gt3A_630 = arith.cmpf ogt, %get3A_627, %select_n3A_622 : vector<16xf32>
      %gt3A_631 = arith.cmpf ogt, %get3A_627, %select_n3A_619 : vector<16xf32>
      %select_n3A_632 = arith.select %gt3A_630, %select_n3A_622, %get3A_627 : vector<16xi1>, vector<16xf32>
      %select_n3A_633 = arith.select %gt3A_631, %select_n3A_632, %select_n3A_619 : vector<16xi1>, vector<16xf32>
      %select_n3A_634 = arith.select %gt3A_630, %select_n3A_623, %broadcast_in_dim3A_629 : vector<16xi1>, vector<16xi32>
      %select_n3A_635 = arith.select %gt3A_631, %select_n3A_634, %select_n3A_621 : vector<16xi1>, vector<16xi32>
      %select_n3A_636 = arith.select %gt3A_630, %get3A_627, %select_n3A_622 : vector<16xi1>, vector<16xf32>
      %select_n3A_637 = arith.select %gt3A_630, %broadcast_in_dim3A_629, %select_n3A_623 : vector<16xi1>, vector<16xi32>
      %get3A_638 = arith.constant 18 : i32
      %get3A_639 = arith.index_cast %get3A_638 : i32 to index
      %get3A_640 = arith.index_cast %mul3A_10 : i32 to index
      %get3A_641 = tpu.vector_load %arg5[%get3A_639, %get3A_640] {strides = array<i32>} : memref<64x512xf32, #tpu.memory_space<vmem>>, vector<16xf32>,
      %broadcast_in_dim3A_642 = arith.constant 18 : i32
      %broadcast_in_dim3A_643 = vector.broadcast %broadcast_in_dim3A_642 : i32 to vector<16xi32>
      %gt3A_644 = arith.cmpf ogt, %get3A_641, %select_n3A_636 : vector<16xf32>
      %gt3A_645 = arith.cmpf ogt, %get3A_641, %select_n3A_633 : vector<16xf32>
      %select_n3A_646 = arith.select %gt3A_644, %select_n3A_636, %get3A_641 : vector<16xi1>, vector<16xf32>
      %select_n3A_647 = arith.select %gt3A_645, %select_n3A_646, %select_n3A_633 : vector<16xi1>, vector<16xf32>
      %select_n3A_648 = arith.select %gt3A_644, %select_n3A_637, %broadcast_in_dim3A_643 : vector<16xi1>, vector<16xi32>
      %select_n3A_649 = arith.select %gt3A_645, %select_n3A_648, %select_n3A_635 : vector<16xi1>, vector<16xi32>
      %select_n3A_650 = arith.select %gt3A_644, %get3A_641, %select_n3A_636 : vector<16xi1>, vector<16xf32>
      %select_n3A_651 = arith.select %gt3A_644, %broadcast_in_dim3A_643, %select_n3A_637 : vector<16xi1>, vector<16xi32>
      %get3A_652 = arith.constant 19 : i32
      %get3A_653 = arith.index_cast %get3A_652 : i32 to index
      %get3A_654 = arith.index_cast %mul3A_10 : i32 to index
      %get3A_655 = tpu.vector_load %arg5[%get3A_653, %get3A_654] {strides = array<i32>} : memref<64x512xf32, #tpu.memory_space<vmem>>, vector<16xf32>,
      %broadcast_in_dim3A_656 = arith.constant 19 : i32
      %broadcast_in_dim3A_657 = vector.broadcast %broadcast_in_dim3A_656 : i32 to vector<16xi32>
      %gt3A_658 = arith.cmpf ogt, %get3A_655, %select_n3A_650 : vector<16xf32>
      %gt3A_659 = arith.cmpf ogt, %get3A_655, %select_n3A_647 : vector<16xf32>
      %select_n3A_660 = arith.select %gt3A_658, %select_n3A_650, %get3A_655 : vector<16xi1>, vector<16xf32>
      %select_n3A_661 = arith.select %gt3A_659, %select_n3A_660, %select_n3A_647 : vector<16xi1>, vector<16xf32>
      %select_n3A_662 = arith.select %gt3A_658, %select_n3A_651, %broadcast_in_dim3A_657 : vector<16xi1>, vector<16xi32>
      %select_n3A_663 = arith.select %gt3A_659, %select_n3A_662, %select_n3A_649 : vector<16xi1>, vector<16xi32>
      %select_n3A_664 = arith.select %gt3A_658, %get3A_655, %select_n3A_650 : vector<16xi1>, vector<16xf32>
      %select_n3A_665 = arith.select %gt3A_658, %broadcast_in_dim3A_657, %select_n3A_651 : vector<16xi1>, vector<16xi32>
      %get3A_666 = arith.constant 20 : i32
      %get3A_667 = arith.index_cast %get3A_666 : i32 to index
      %get3A_668 = arith.index_cast %mul3A_10 : i32 to index
      %get3A_669 = tpu.vector_load %arg5[%get3A_667, %get3A_668] {strides = array<i32>} : memref<64x512xf32, #tpu.memory_space<vmem>>, vector<16xf32>,
      %broadcast_in_dim3A_670 = arith.constant 20 : i32
      %broadcast_in_dim3A_671 = vector.broadcast %broadcast_in_dim3A_670 : i32 to vector<16xi32>
      %gt3A_672 = arith.cmpf ogt, %get3A_669, %select_n3A_664 : vector<16xf32>
      %gt3A_673 = arith.cmpf ogt, %get3A_669, %select_n3A_661 : vector<16xf32>
      %select_n3A_674 = arith.select %gt3A_672, %select_n3A_664, %get3A_669 : vector<16xi1>, vector<16xf32>
      %select_n3A_675 = arith.select %gt3A_673, %select_n3A_674, %select_n3A_661 : vector<16xi1>, vector<16xf32>
      %select_n3A_676 = arith.select %gt3A_672, %select_n3A_665, %broadcast_in_dim3A_671 : vector<16xi1>, vector<16xi32>
      %select_n3A_677 = arith.select %gt3A_673, %select_n3A_676, %select_n3A_663 : vector<16xi1>, vector<16xi32>
      %select_n3A_678 = arith.select %gt3A_672, %get3A_669, %select_n3A_664 : vector<16xi1>, vector<16xf32>
      %select_n3A_679 = arith.select %gt3A_672, %broadcast_in_dim3A_671, %select_n3A_665 : vector<16xi1>, vector<16xi32>
      %get3A_680 = arith.constant 21 : i32
      %get3A_681 = arith.index_cast %get3A_680 : i32 to index
      %get3A_682 = arith.index_cast %mul3A_10 : i32 to index
      %get3A_683 = tpu.vector_load %arg5[%get3A_681, %get3A_682] {strides = array<i32>} : memref<64x512xf32, #tpu.memory_space<vmem>>, vector<16xf32>,
      %broadcast_in_dim3A_684 = arith.constant 21 : i32
      %broadcast_in_dim3A_685 = vector.broadcast %broadcast_in_dim3A_684 : i32 to vector<16xi32>
      %gt3A_686 = arith.cmpf ogt, %get3A_683, %select_n3A_678 : vector<16xf32>
      %gt3A_687 = arith.cmpf ogt, %get3A_683, %select_n3A_675 : vector<16xf32>
      %select_n3A_688 = arith.select %gt3A_686, %select_n3A_678, %get3A_683 : vector<16xi1>, vector<16xf32>
      %select_n3A_689 = arith.select %gt3A_687, %select_n3A_688, %select_n3A_675 : vector<16xi1>, vector<16xf32>
      %select_n3A_690 = arith.select %gt3A_686, %select_n3A_679, %broadcast_in_dim3A_685 : vector<16xi1>, vector<16xi32>
      %select_n3A_691 = arith.select %gt3A_687, %select_n3A_690, %select_n3A_677 : vector<16xi1>, vector<16xi32>
      %select_n3A_692 = arith.select %gt3A_686, %get3A_683, %select_n3A_678 : vector<16xi1>, vector<16xf32>
      %select_n3A_693 = arith.select %gt3A_686, %broadcast_in_dim3A_685, %select_n3A_679 : vector<16xi1>, vector<16xi32>
      %get3A_694 = arith.constant 22 : i32
      %get3A_695 = arith.index_cast %get3A_694 : i32 to index
      %get3A_696 = arith.index_cast %mul3A_10 : i32 to index
      %get3A_697 = tpu.vector_load %arg5[%get3A_695, %get3A_696] {strides = array<i32>} : memref<64x512xf32, #tpu.memory_space<vmem>>, vector<16xf32>,
      %broadcast_in_dim3A_698 = arith.constant 22 : i32
      %broadcast_in_dim3A_699 = vector.broadcast %broadcast_in_dim3A_698 : i32 to vector<16xi32>
      %gt3A_700 = arith.cmpf ogt, %get3A_697, %select_n3A_692 : vector<16xf32>
      %gt3A_701 = arith.cmpf ogt, %get3A_697, %select_n3A_689 : vector<16xf32>
      %select_n3A_702 = arith.select %gt3A_700, %select_n3A_692, %get3A_697 : vector<16xi1>, vector<16xf32>
      %select_n3A_703 = arith.select %gt3A_701, %select_n3A_702, %select_n3A_689 : vector<16xi1>, vector<16xf32>
      %select_n3A_704 = arith.select %gt3A_700, %select_n3A_693, %broadcast_in_dim3A_699 : vector<16xi1>, vector<16xi32>
      %select_n3A_705 = arith.select %gt3A_701, %select_n3A_704, %select_n3A_691 : vector<16xi1>, vector<16xi32>
      %select_n3A_706 = arith.select %gt3A_700, %get3A_697, %select_n3A_692 : vector<16xi1>, vector<16xf32>
      %select_n3A_707 = arith.select %gt3A_700, %broadcast_in_dim3A_699, %select_n3A_693 : vector<16xi1>, vector<16xi32>
      %get3A_708 = arith.constant 23 : i32
      %get3A_709 = arith.index_cast %get3A_708 : i32 to index
      %get3A_710 = arith.index_cast %mul3A_10 : i32 to index
      %get3A_711 = tpu.vector_load %arg5[%get3A_709, %get3A_710] {strides = array<i32>} : memref<64x512xf32, #tpu.memory_space<vmem>>, vector<16xf32>,
      %broadcast_in_dim3A_712 = arith.constant 23 : i32
      %broadcast_in_dim3A_713 = vector.broadcast %broadcast_in_dim3A_712 : i32 to vector<16xi32>
      %gt3A_714 = arith.cmpf ogt, %get3A_711, %select_n3A_706 : vector<16xf32>
      %gt3A_715 = arith.cmpf ogt, %get3A_711, %select_n3A_703 : vector<16xf32>
      %select_n3A_716 = arith.select %gt3A_714, %select_n3A_706, %get3A_711 : vector<16xi1>, vector<16xf32>
      %select_n3A_717 = arith.select %gt3A_715, %select_n3A_716, %select_n3A_703 : vector<16xi1>, vector<16xf32>
      %select_n3A_718 = arith.select %gt3A_714, %select_n3A_707, %broadcast_in_dim3A_713 : vector<16xi1>, vector<16xi32>
      %select_n3A_719 = arith.select %gt3A_715, %select_n3A_718, %select_n3A_705 : vector<16xi1>, vector<16xi32>
      %select_n3A_720 = arith.select %gt3A_714, %get3A_711, %select_n3A_706 : vector<16xi1>, vector<16xf32>
      %select_n3A_721 = arith.select %gt3A_714, %broadcast_in_dim3A_713, %select_n3A_707 : vector<16xi1>, vector<16xi32>
      %get3A_722 = arith.constant 24 : i32
      %get3A_723 = arith.index_cast %get3A_722 : i32 to index
      %get3A_724 = arith.index_cast %mul3A_10 : i32 to index
      %get3A_725 = tpu.vector_load %arg5[%get3A_723, %get3A_724] {strides = array<i32>} : memref<64x512xf32, #tpu.memory_space<vmem>>, vector<16xf32>,
      %broadcast_in_dim3A_726 = arith.constant 24 : i32
      %broadcast_in_dim3A_727 = vector.broadcast %broadcast_in_dim3A_726 : i32 to vector<16xi32>
      %gt3A_728 = arith.cmpf ogt, %get3A_725, %select_n3A_720 : vector<16xf32>
      %gt3A_729 = arith.cmpf ogt, %get3A_725, %select_n3A_717 : vector<16xf32>
      %select_n3A_730 = arith.select %gt3A_728, %select_n3A_720, %get3A_725 : vector<16xi1>, vector<16xf32>
      %select_n3A_731 = arith.select %gt3A_729, %select_n3A_730, %select_n3A_717 : vector<16xi1>, vector<16xf32>
      %select_n3A_732 = arith.select %gt3A_728, %select_n3A_721, %broadcast_in_dim3A_727 : vector<16xi1>, vector<16xi32>
      %select_n3A_733 = arith.select %gt3A_729, %select_n3A_732, %select_n3A_719 : vector<16xi1>, vector<16xi32>
      %select_n3A_734 = arith.select %gt3A_728, %get3A_725, %select_n3A_720 : vector<16xi1>, vector<16xf32>
      %select_n3A_735 = arith.select %gt3A_728, %broadcast_in_dim3A_727, %select_n3A_721 : vector<16xi1>, vector<16xi32>
      %get3A_736 = arith.constant 25 : i32
      %get3A_737 = arith.index_cast %get3A_736 : i32 to index
      %get3A_738 = arith.index_cast %mul3A_10 : i32 to index
      %get3A_739 = tpu.vector_load %arg5[%get3A_737, %get3A_738] {strides = array<i32>} : memref<64x512xf32, #tpu.memory_space<vmem>>, vector<16xf32>,
      %broadcast_in_dim3A_740 = arith.constant 25 : i32
      %broadcast_in_dim3A_741 = vector.broadcast %broadcast_in_dim3A_740 : i32 to vector<16xi32>
      %gt3A_742 = arith.cmpf ogt, %get3A_739, %select_n3A_734 : vector<16xf32>
      %gt3A_743 = arith.cmpf ogt, %get3A_739, %select_n3A_731 : vector<16xf32>
      %select_n3A_744 = arith.select %gt3A_742, %select_n3A_734, %get3A_739 : vector<16xi1>, vector<16xf32>
      %select_n3A_745 = arith.select %gt3A_743, %select_n3A_744, %select_n3A_731 : vector<16xi1>, vector<16xf32>
      %select_n3A_746 = arith.select %gt3A_742, %select_n3A_735, %broadcast_in_dim3A_741 : vector<16xi1>, vector<16xi32>
      %select_n3A_747 = arith.select %gt3A_743, %select_n3A_746, %select_n3A_733 : vector<16xi1>, vector<16xi32>
      %select_n3A_748 = arith.select %gt3A_742, %get3A_739, %select_n3A_734 : vector<16xi1>, vector<16xf32>
      %select_n3A_749 = arith.select %gt3A_742, %broadcast_in_dim3A_741, %select_n3A_735 : vector<16xi1>, vector<16xi32>
      %get3A_750 = arith.constant 26 : i32
      %get3A_751 = arith.index_cast %get3A_750 : i32 to index
      %get3A_752 = arith.index_cast %mul3A_10 : i32 to index
      %get3A_753 = tpu.vector_load %arg5[%get3A_751, %get3A_752] {strides = array<i32>} : memref<64x512xf32, #tpu.memory_space<vmem>>, vector<16xf32>,
      %broadcast_in_dim3A_754 = arith.constant 26 : i32
      %broadcast_in_dim3A_755 = vector.broadcast %broadcast_in_dim3A_754 : i32 to vector<16xi32>
      %gt3A_756 = arith.cmpf ogt, %get3A_753, %select_n3A_748 : vector<16xf32>
      %gt3A_757 = arith.cmpf ogt, %get3A_753, %select_n3A_745 : vector<16xf32>
      %select_n3A_758 = arith.select %gt3A_756, %select_n3A_748, %get3A_753 : vector<16xi1>, vector<16xf32>
      %select_n3A_759 = arith.select %gt3A_757, %select_n3A_758, %select_n3A_745 : vector<16xi1>, vector<16xf32>
      %select_n3A_760 = arith.select %gt3A_756, %select_n3A_749, %broadcast_in_dim3A_755 : vector<16xi1>, vector<16xi32>
      %select_n3A_761 = arith.select %gt3A_757, %select_n3A_760, %select_n3A_747 : vector<16xi1>, vector<16xi32>
      %select_n3A_762 = arith.select %gt3A_756, %get3A_753, %select_n3A_748 : vector<16xi1>, vector<16xf32>
      %select_n3A_763 = arith.select %gt3A_756, %broadcast_in_dim3A_755, %select_n3A_749 : vector<16xi1>, vector<16xi32>
      %get3A_764 = arith.constant 27 : i32
      %get3A_765 = arith.index_cast %get3A_764 : i32 to index
      %get3A_766 = arith.index_cast %mul3A_10 : i32 to index
      %get3A_767 = tpu.vector_load %arg5[%get3A_765, %get3A_766] {strides = array<i32>} : memref<64x512xf32, #tpu.memory_space<vmem>>, vector<16xf32>,
      %broadcast_in_dim3A_768 = arith.constant 27 : i32
      %broadcast_in_dim3A_769 = vector.broadcast %broadcast_in_dim3A_768 : i32 to vector<16xi32>
      %gt3A_770 = arith.cmpf ogt, %get3A_767, %select_n3A_762 : vector<16xf32>
      %gt3A_771 = arith.cmpf ogt, %get3A_767, %select_n3A_759 : vector<16xf32>
      %select_n3A_772 = arith.select %gt3A_770, %select_n3A_762, %get3A_767 : vector<16xi1>, vector<16xf32>
      %select_n3A_773 = arith.select %gt3A_771, %select_n3A_772, %select_n3A_759 : vector<16xi1>, vector<16xf32>
      %select_n3A_774 = arith.select %gt3A_770, %select_n3A_763, %broadcast_in_dim3A_769 : vector<16xi1>, vector<16xi32>
      %select_n3A_775 = arith.select %gt3A_771, %select_n3A_774, %select_n3A_761 : vector<16xi1>, vector<16xi32>
      %select_n3A_776 = arith.select %gt3A_770, %get3A_767, %select_n3A_762 : vector<16xi1>, vector<16xf32>
      %select_n3A_777 = arith.select %gt3A_770, %broadcast_in_dim3A_769, %select_n3A_763 : vector<16xi1>, vector<16xi32>
      %get3A_778 = arith.constant 28 : i32
      %get3A_779 = arith.index_cast %get3A_778 : i32 to index
      %get3A_780 = arith.index_cast %mul3A_10 : i32 to index
      %get3A_781 = tpu.vector_load %arg5[%get3A_779, %get3A_780] {strides = array<i32>} : memref<64x512xf32, #tpu.memory_space<vmem>>, vector<16xf32>,
      %broadcast_in_dim3A_782 = arith.constant 28 : i32
      %broadcast_in_dim3A_783 = vector.broadcast %broadcast_in_dim3A_782 : i32 to vector<16xi32>
      %gt3A_784 = arith.cmpf ogt, %get3A_781, %select_n3A_776 : vector<16xf32>
      %gt3A_785 = arith.cmpf ogt, %get3A_781, %select_n3A_773 : vector<16xf32>
      %select_n3A_786 = arith.select %gt3A_784, %select_n3A_776, %get3A_781 : vector<16xi1>, vector<16xf32>
      %select_n3A_787 = arith.select %gt3A_785, %select_n3A_786, %select_n3A_773 : vector<16xi1>, vector<16xf32>
      %select_n3A_788 = arith.select %gt3A_784, %select_n3A_777, %broadcast_in_dim3A_783 : vector<16xi1>, vector<16xi32>
      %select_n3A_789 = arith.select %gt3A_785, %select_n3A_788, %select_n3A_775 : vector<16xi1>, vector<16xi32>
      %select_n3A_790 = arith.select %gt3A_784, %get3A_781, %select_n3A_776 : vector<16xi1>, vector<16xf32>
      %select_n3A_791 = arith.select %gt3A_784, %broadcast_in_dim3A_783, %select_n3A_777 : vector<16xi1>, vector<16xi32>
      %get3A_792 = arith.constant 29 : i32
      %get3A_793 = arith.index_cast %get3A_792 : i32 to index
      %get3A_794 = arith.index_cast %mul3A_10 : i32 to index
      %get3A_795 = tpu.vector_load %arg5[%get3A_793, %get3A_794] {strides = array<i32>} : memref<64x512xf32, #tpu.memory_space<vmem>>, vector<16xf32>,
      %broadcast_in_dim3A_796 = arith.constant 29 : i32
      %broadcast_in_dim3A_797 = vector.broadcast %broadcast_in_dim3A_796 : i32 to vector<16xi32>
      %gt3A_798 = arith.cmpf ogt, %get3A_795, %select_n3A_790 : vector<16xf32>
      %gt3A_799 = arith.cmpf ogt, %get3A_795, %select_n3A_787 : vector<16xf32>
      %select_n3A_800 = arith.select %gt3A_798, %select_n3A_790, %get3A_795 : vector<16xi1>, vector<16xf32>
      %select_n3A_801 = arith.select %gt3A_799, %select_n3A_800, %select_n3A_787 : vector<16xi1>, vector<16xf32>
      %select_n3A_802 = arith.select %gt3A_798, %select_n3A_791, %broadcast_in_dim3A_797 : vector<16xi1>, vector<16xi32>
      %select_n3A_803 = arith.select %gt3A_799, %select_n3A_802, %select_n3A_789 : vector<16xi1>, vector<16xi32>
      %select_n3A_804 = arith.select %gt3A_798, %get3A_795, %select_n3A_790 : vector<16xi1>, vector<16xf32>
      %select_n3A_805 = arith.select %gt3A_798, %broadcast_in_dim3A_797, %select_n3A_791 : vector<16xi1>, vector<16xi32>
      %get3A_806 = arith.constant 30 : i32
      %get3A_807 = arith.index_cast %get3A_806 : i32 to index
      %get3A_808 = arith.index_cast %mul3A_10 : i32 to index
      %get3A_809 = tpu.vector_load %arg5[%get3A_807, %get3A_808] {strides = array<i32>} : memref<64x512xf32, #tpu.memory_space<vmem>>, vector<16xf32>,
      %broadcast_in_dim3A_810 = arith.constant 30 : i32
      %broadcast_in_dim3A_811 = vector.broadcast %broadcast_in_dim3A_810 : i32 to vector<16xi32>
      %gt3A_812 = arith.cmpf ogt, %get3A_809, %select_n3A_804 : vector<16xf32>
      %gt3A_813 = arith.cmpf ogt, %get3A_809, %select_n3A_801 : vector<16xf32>
      %select_n3A_814 = arith.select %gt3A_812, %select_n3A_804, %get3A_809 : vector<16xi1>, vector<16xf32>
      %select_n3A_815 = arith.select %gt3A_813, %select_n3A_814, %select_n3A_801 : vector<16xi1>, vector<16xf32>
      %select_n3A_816 = arith.select %gt3A_812, %select_n3A_805, %broadcast_in_dim3A_811 : vector<16xi1>, vector<16xi32>
      %select_n3A_817 = arith.select %gt3A_813, %select_n3A_816, %select_n3A_803 : vector<16xi1>, vector<16xi32>
      %select_n3A_818 = arith.select %gt3A_812, %get3A_809, %select_n3A_804 : vector<16xi1>, vector<16xf32>
      %select_n3A_819 = arith.select %gt3A_812, %broadcast_in_dim3A_811, %select_n3A_805 : vector<16xi1>, vector<16xi32>
      %get3A_820 = arith.constant 31 : i32
      %get3A_821 = arith.index_cast %get3A_820 : i32 to index
      %get3A_822 = arith.index_cast %mul3A_10 : i32 to index
      %get3A_823 = tpu.vector_load %arg5[%get3A_821, %get3A_822] {strides = array<i32>} : memref<64x512xf32, #tpu.memory_space<vmem>>, vector<16xf32>,
      %broadcast_in_dim3A_824 = arith.constant 31 : i32
      %broadcast_in_dim3A_825 = vector.broadcast %broadcast_in_dim3A_824 : i32 to vector<16xi32>
      %gt3A_826 = arith.cmpf ogt, %get3A_823, %select_n3A_818 : vector<16xf32>
      %gt3A_827 = arith.cmpf ogt, %get3A_823, %select_n3A_815 : vector<16xf32>
      %select_n3A_828 = arith.select %gt3A_826, %select_n3A_818, %get3A_823 : vector<16xi1>, vector<16xf32>
      %select_n3A_829 = arith.select %gt3A_827, %select_n3A_828, %select_n3A_815 : vector<16xi1>, vector<16xf32>
      %select_n3A_830 = arith.select %gt3A_826, %select_n3A_819, %broadcast_in_dim3A_825 : vector<16xi1>, vector<16xi32>
      %select_n3A_831 = arith.select %gt3A_827, %select_n3A_830, %select_n3A_817 : vector<16xi1>, vector<16xi32>
      %select_n3A_832 = arith.select %gt3A_826, %get3A_823, %select_n3A_818 : vector<16xi1>, vector<16xf32>
      %select_n3A_833 = arith.select %gt3A_826, %broadcast_in_dim3A_825, %select_n3A_819 : vector<16xi1>, vector<16xi32>
      %get3A_834 = arith.constant 32 : i32
      %get3A_835 = arith.index_cast %get3A_834 : i32 to index
      %get3A_836 = arith.index_cast %mul3A_10 : i32 to index
      %get3A_837 = tpu.vector_load %arg5[%get3A_835, %get3A_836] {strides = array<i32>} : memref<64x512xf32, #tpu.memory_space<vmem>>, vector<16xf32>,
      %broadcast_in_dim3A_838 = arith.constant 32 : i32
      %broadcast_in_dim3A_839 = vector.broadcast %broadcast_in_dim3A_838 : i32 to vector<16xi32>
      %gt3A_840 = arith.cmpf ogt, %get3A_837, %select_n3A_832 : vector<16xf32>
      %gt3A_841 = arith.cmpf ogt, %get3A_837, %select_n3A_829 : vector<16xf32>
      %select_n3A_842 = arith.select %gt3A_840, %select_n3A_832, %get3A_837 : vector<16xi1>, vector<16xf32>
      %select_n3A_843 = arith.select %gt3A_841, %select_n3A_842, %select_n3A_829 : vector<16xi1>, vector<16xf32>
      %select_n3A_844 = arith.select %gt3A_840, %select_n3A_833, %broadcast_in_dim3A_839 : vector<16xi1>, vector<16xi32>
      %select_n3A_845 = arith.select %gt3A_841, %select_n3A_844, %select_n3A_831 : vector<16xi1>, vector<16xi32>
      %select_n3A_846 = arith.select %gt3A_840, %get3A_837, %select_n3A_832 : vector<16xi1>, vector<16xf32>
      %select_n3A_847 = arith.select %gt3A_840, %broadcast_in_dim3A_839, %select_n3A_833 : vector<16xi1>, vector<16xi32>
      %get3A_848 = arith.constant 33 : i32
      %get3A_849 = arith.index_cast %get3A_848 : i32 to index
      %get3A_850 = arith.index_cast %mul3A_10 : i32 to index
      %get3A_851 = tpu.vector_load %arg5[%get3A_849, %get3A_850] {strides = array<i32>} : memref<64x512xf32, #tpu.memory_space<vmem>>, vector<16xf32>,
      %broadcast_in_dim3A_852 = arith.constant 33 : i32
      %broadcast_in_dim3A_853 = vector.broadcast %broadcast_in_dim3A_852 : i32 to vector<16xi32>
      %gt3A_854 = arith.cmpf ogt, %get3A_851, %select_n3A_846 : vector<16xf32>
      %gt3A_855 = arith.cmpf ogt, %get3A_851, %select_n3A_843 : vector<16xf32>
      %select_n3A_856 = arith.select %gt3A_854, %select_n3A_846, %get3A_851 : vector<16xi1>, vector<16xf32>
      %select_n3A_857 = arith.select %gt3A_855, %select_n3A_856, %select_n3A_843 : vector<16xi1>, vector<16xf32>
      %select_n3A_858 = arith.select %gt3A_854, %select_n3A_847, %broadcast_in_dim3A_853 : vector<16xi1>, vector<16xi32>
      %select_n3A_859 = arith.select %gt3A_855, %select_n3A_858, %select_n3A_845 : vector<16xi1>, vector<16xi32>
      %select_n3A_860 = arith.select %gt3A_854, %get3A_851, %select_n3A_846 : vector<16xi1>, vector<16xf32>
      %select_n3A_861 = arith.select %gt3A_854, %broadcast_in_dim3A_853, %select_n3A_847 : vector<16xi1>, vector<16xi32>
      %get3A_862 = arith.constant 34 : i32
      %get3A_863 = arith.index_cast %get3A_862 : i32 to index
      %get3A_864 = arith.index_cast %mul3A_10 : i32 to index
      %get3A_865 = tpu.vector_load %arg5[%get3A_863, %get3A_864] {strides = array<i32>} : memref<64x512xf32, #tpu.memory_space<vmem>>, vector<16xf32>,
      %broadcast_in_dim3A_866 = arith.constant 34 : i32
      %broadcast_in_dim3A_867 = vector.broadcast %broadcast_in_dim3A_866 : i32 to vector<16xi32>
      %gt3A_868 = arith.cmpf ogt, %get3A_865, %select_n3A_860 : vector<16xf32>
      %gt3A_869 = arith.cmpf ogt, %get3A_865, %select_n3A_857 : vector<16xf32>
      %select_n3A_870 = arith.select %gt3A_868, %select_n3A_860, %get3A_865 : vector<16xi1>, vector<16xf32>
      %select_n3A_871 = arith.select %gt3A_869, %select_n3A_870, %select_n3A_857 : vector<16xi1>, vector<16xf32>
      %select_n3A_872 = arith.select %gt3A_868, %select_n3A_861, %broadcast_in_dim3A_867 : vector<16xi1>, vector<16xi32>
      %select_n3A_873 = arith.select %gt3A_869, %select_n3A_872, %select_n3A_859 : vector<16xi1>, vector<16xi32>
      %select_n3A_874 = arith.select %gt3A_868, %get3A_865, %select_n3A_860 : vector<16xi1>, vector<16xf32>
      %select_n3A_875 = arith.select %gt3A_868, %broadcast_in_dim3A_867, %select_n3A_861 : vector<16xi1>, vector<16xi32>
      %get3A_876 = arith.constant 35 : i32
      %get3A_877 = arith.index_cast %get3A_876 : i32 to index
      %get3A_878 = arith.index_cast %mul3A_10 : i32 to index
      %get3A_879 = tpu.vector_load %arg5[%get3A_877, %get3A_878] {strides = array<i32>} : memref<64x512xf32, #tpu.memory_space<vmem>>, vector<16xf32>,
      %broadcast_in_dim3A_880 = arith.constant 35 : i32
      %broadcast_in_dim3A_881 = vector.broadcast %broadcast_in_dim3A_880 : i32 to vector<16xi32>
      %gt3A_882 = arith.cmpf ogt, %get3A_879, %select_n3A_874 : vector<16xf32>
      %gt3A_883 = arith.cmpf ogt, %get3A_879, %select_n3A_871 : vector<16xf32>
      %select_n3A_884 = arith.select %gt3A_882, %select_n3A_874, %get3A_879 : vector<16xi1>, vector<16xf32>
      %select_n3A_885 = arith.select %gt3A_883, %select_n3A_884, %select_n3A_871 : vector<16xi1>, vector<16xf32>
      %select_n3A_886 = arith.select %gt3A_882, %select_n3A_875, %broadcast_in_dim3A_881 : vector<16xi1>, vector<16xi32>
      %select_n3A_887 = arith.select %gt3A_883, %select_n3A_886, %select_n3A_873 : vector<16xi1>, vector<16xi32>
      %select_n3A_888 = arith.select %gt3A_882, %get3A_879, %select_n3A_874 : vector<16xi1>, vector<16xf32>
      %select_n3A_889 = arith.select %gt3A_882, %broadcast_in_dim3A_881, %select_n3A_875 : vector<16xi1>, vector<16xi32>
      %get3A_890 = arith.constant 36 : i32
      %get3A_891 = arith.index_cast %get3A_890 : i32 to index
      %get3A_892 = arith.index_cast %mul3A_10 : i32 to index
      %get3A_893 = tpu.vector_load %arg5[%get3A_891, %get3A_892] {strides = array<i32>} : memref<64x512xf32, #tpu.memory_space<vmem>>, vector<16xf32>,
      %broadcast_in_dim3A_894 = arith.constant 36 : i32
      %broadcast_in_dim3A_895 = vector.broadcast %broadcast_in_dim3A_894 : i32 to vector<16xi32>
      %gt3A_896 = arith.cmpf ogt, %get3A_893, %select_n3A_888 : vector<16xf32>
      %gt3A_897 = arith.cmpf ogt, %get3A_893, %select_n3A_885 : vector<16xf32>
      %select_n3A_898 = arith.select %gt3A_896, %select_n3A_888, %get3A_893 : vector<16xi1>, vector<16xf32>
      %select_n3A_899 = arith.select %gt3A_897, %select_n3A_898, %select_n3A_885 : vector<16xi1>, vector<16xf32>
      %select_n3A_900 = arith.select %gt3A_896, %select_n3A_889, %broadcast_in_dim3A_895 : vector<16xi1>, vector<16xi32>
      %select_n3A_901 = arith.select %gt3A_897, %select_n3A_900, %select_n3A_887 : vector<16xi1>, vector<16xi32>
      %select_n3A_902 = arith.select %gt3A_896, %get3A_893, %select_n3A_888 : vector<16xi1>, vector<16xf32>
      %select_n3A_903 = arith.select %gt3A_896, %broadcast_in_dim3A_895, %select_n3A_889 : vector<16xi1>, vector<16xi32>
      %get3A_904 = arith.constant 37 : i32
      %get3A_905 = arith.index_cast %get3A_904 : i32 to index
      %get3A_906 = arith.index_cast %mul3A_10 : i32 to index
      %get3A_907 = tpu.vector_load %arg5[%get3A_905, %get3A_906] {strides = array<i32>} : memref<64x512xf32, #tpu.memory_space<vmem>>, vector<16xf32>,
      %broadcast_in_dim3A_908 = arith.constant 37 : i32
      %broadcast_in_dim3A_909 = vector.broadcast %broadcast_in_dim3A_908 : i32 to vector<16xi32>
      %gt3A_910 = arith.cmpf ogt, %get3A_907, %select_n3A_902 : vector<16xf32>
      %gt3A_911 = arith.cmpf ogt, %get3A_907, %select_n3A_899 : vector<16xf32>
      %select_n3A_912 = arith.select %gt3A_910, %select_n3A_902, %get3A_907 : vector<16xi1>, vector<16xf32>
      %select_n3A_913 = arith.select %gt3A_911, %select_n3A_912, %select_n3A_899 : vector<16xi1>, vector<16xf32>
      %select_n3A_914 = arith.select %gt3A_910, %select_n3A_903, %broadcast_in_dim3A_909 : vector<16xi1>, vector<16xi32>
      %select_n3A_915 = arith.select %gt3A_911, %select_n3A_914, %select_n3A_901 : vector<16xi1>, vector<16xi32>
      %select_n3A_916 = arith.select %gt3A_910, %get3A_907, %select_n3A_902 : vector<16xi1>, vector<16xf32>
      %select_n3A_917 = arith.select %gt3A_910, %broadcast_in_dim3A_909, %select_n3A_903 : vector<16xi1>, vector<16xi32>
      %get3A_918 = arith.constant 38 : i32
      %get3A_919 = arith.index_cast %get3A_918 : i32 to index
      %get3A_920 = arith.index_cast %mul3A_10 : i32 to index
      %get3A_921 = tpu.vector_load %arg5[%get3A_919, %get3A_920] {strides = array<i32>} : memref<64x512xf32, #tpu.memory_space<vmem>>, vector<16xf32>,
      %broadcast_in_dim3A_922 = arith.constant 38 : i32
      %broadcast_in_dim3A_923 = vector.broadcast %broadcast_in_dim3A_922 : i32 to vector<16xi32>
      %gt3A_924 = arith.cmpf ogt, %get3A_921, %select_n3A_916 : vector<16xf32>
      %gt3A_925 = arith.cmpf ogt, %get3A_921, %select_n3A_913 : vector<16xf32>
      %select_n3A_926 = arith.select %gt3A_924, %select_n3A_916, %get3A_921 : vector<16xi1>, vector<16xf32>
      %select_n3A_927 = arith.select %gt3A_925, %select_n3A_926, %select_n3A_913 : vector<16xi1>, vector<16xf32>
      %select_n3A_928 = arith.select %gt3A_924, %select_n3A_917, %broadcast_in_dim3A_923 : vector<16xi1>, vector<16xi32>
      %select_n3A_929 = arith.select %gt3A_925, %select_n3A_928, %select_n3A_915 : vector<16xi1>, vector<16xi32>
      %select_n3A_930 = arith.select %gt3A_924, %get3A_921, %select_n3A_916 : vector<16xi1>, vector<16xf32>
      %select_n3A_931 = arith.select %gt3A_924, %broadcast_in_dim3A_923, %select_n3A_917 : vector<16xi1>, vector<16xi32>
      %get3A_932 = arith.constant 39 : i32
      %get3A_933 = arith.index_cast %get3A_932 : i32 to index
      %get3A_934 = arith.index_cast %mul3A_10 : i32 to index
      %get3A_935 = tpu.vector_load %arg5[%get3A_933, %get3A_934] {strides = array<i32>} : memref<64x512xf32, #tpu.memory_space<vmem>>, vector<16xf32>,
      %broadcast_in_dim3A_936 = arith.constant 39 : i32
      %broadcast_in_dim3A_937 = vector.broadcast %broadcast_in_dim3A_936 : i32 to vector<16xi32>
      %gt3A_938 = arith.cmpf ogt, %get3A_935, %select_n3A_930 : vector<16xf32>
      %gt3A_939 = arith.cmpf ogt, %get3A_935, %select_n3A_927 : vector<16xf32>
      %select_n3A_940 = arith.select %gt3A_938, %select_n3A_930, %get3A_935 : vector<16xi1>, vector<16xf32>
      %select_n3A_941 = arith.select %gt3A_939, %select_n3A_940, %select_n3A_927 : vector<16xi1>, vector<16xf32>
      %select_n3A_942 = arith.select %gt3A_938, %select_n3A_931, %broadcast_in_dim3A_937 : vector<16xi1>, vector<16xi32>
      %select_n3A_943 = arith.select %gt3A_939, %select_n3A_942, %select_n3A_929 : vector<16xi1>, vector<16xi32>
      %select_n3A_944 = arith.select %gt3A_938, %get3A_935, %select_n3A_930 : vector<16xi1>, vector<16xf32>
      %select_n3A_945 = arith.select %gt3A_938, %broadcast_in_dim3A_937, %select_n3A_931 : vector<16xi1>, vector<16xi32>
      %get3A_946 = arith.constant 40 : i32
      %get3A_947 = arith.index_cast %get3A_946 : i32 to index
      %get3A_948 = arith.index_cast %mul3A_10 : i32 to index
      %get3A_949 = tpu.vector_load %arg5[%get3A_947, %get3A_948] {strides = array<i32>} : memref<64x512xf32, #tpu.memory_space<vmem>>, vector<16xf32>,
      %broadcast_in_dim3A_950 = arith.constant 40 : i32
      %broadcast_in_dim3A_951 = vector.broadcast %broadcast_in_dim3A_950 : i32 to vector<16xi32>
      %gt3A_952 = arith.cmpf ogt, %get3A_949, %select_n3A_944 : vector<16xf32>
      %gt3A_953 = arith.cmpf ogt, %get3A_949, %select_n3A_941 : vector<16xf32>
      %select_n3A_954 = arith.select %gt3A_952, %select_n3A_944, %get3A_949 : vector<16xi1>, vector<16xf32>
      %select_n3A_955 = arith.select %gt3A_953, %select_n3A_954, %select_n3A_941 : vector<16xi1>, vector<16xf32>
      %select_n3A_956 = arith.select %gt3A_952, %select_n3A_945, %broadcast_in_dim3A_951 : vector<16xi1>, vector<16xi32>
      %select_n3A_957 = arith.select %gt3A_953, %select_n3A_956, %select_n3A_943 : vector<16xi1>, vector<16xi32>
      %select_n3A_958 = arith.select %gt3A_952, %get3A_949, %select_n3A_944 : vector<16xi1>, vector<16xf32>
      %select_n3A_959 = arith.select %gt3A_952, %broadcast_in_dim3A_951, %select_n3A_945 : vector<16xi1>, vector<16xi32>
      %get3A_960 = arith.constant 41 : i32
      %get3A_961 = arith.index_cast %get3A_960 : i32 to index
      %get3A_962 = arith.index_cast %mul3A_10 : i32 to index
      %get3A_963 = tpu.vector_load %arg5[%get3A_961, %get3A_962] {strides = array<i32>} : memref<64x512xf32, #tpu.memory_space<vmem>>, vector<16xf32>,
      %broadcast_in_dim3A_964 = arith.constant 41 : i32
      %broadcast_in_dim3A_965 = vector.broadcast %broadcast_in_dim3A_964 : i32 to vector<16xi32>
      %gt3A_966 = arith.cmpf ogt, %get3A_963, %select_n3A_958 : vector<16xf32>
      %gt3A_967 = arith.cmpf ogt, %get3A_963, %select_n3A_955 : vector<16xf32>
      %select_n3A_968 = arith.select %gt3A_966, %select_n3A_958, %get3A_963 : vector<16xi1>, vector<16xf32>
      %select_n3A_969 = arith.select %gt3A_967, %select_n3A_968, %select_n3A_955 : vector<16xi1>, vector<16xf32>
      %select_n3A_970 = arith.select %gt3A_966, %select_n3A_959, %broadcast_in_dim3A_965 : vector<16xi1>, vector<16xi32>
      %select_n3A_971 = arith.select %gt3A_967, %select_n3A_970, %select_n3A_957 : vector<16xi1>, vector<16xi32>
      %select_n3A_972 = arith.select %gt3A_966, %get3A_963, %select_n3A_958 : vector<16xi1>, vector<16xf32>
      %select_n3A_973 = arith.select %gt3A_966, %broadcast_in_dim3A_965, %select_n3A_959 : vector<16xi1>, vector<16xi32>
      %get3A_974 = arith.constant 42 : i32
      %get3A_975 = arith.index_cast %get3A_974 : i32 to index
      %get3A_976 = arith.index_cast %mul3A_10 : i32 to index
      %get3A_977 = tpu.vector_load %arg5[%get3A_975, %get3A_976] {strides = array<i32>} : memref<64x512xf32, #tpu.memory_space<vmem>>, vector<16xf32>,
      %broadcast_in_dim3A_978 = arith.constant 42 : i32
      %broadcast_in_dim3A_979 = vector.broadcast %broadcast_in_dim3A_978 : i32 to vector<16xi32>
      %gt3A_980 = arith.cmpf ogt, %get3A_977, %select_n3A_972 : vector<16xf32>
      %gt3A_981 = arith.cmpf ogt, %get3A_977, %select_n3A_969 : vector<16xf32>
      %select_n3A_982 = arith.select %gt3A_980, %select_n3A_972, %get3A_977 : vector<16xi1>, vector<16xf32>
      %select_n3A_983 = arith.select %gt3A_981, %select_n3A_982, %select_n3A_969 : vector<16xi1>, vector<16xf32>
      %select_n3A_984 = arith.select %gt3A_980, %select_n3A_973, %broadcast_in_dim3A_979 : vector<16xi1>, vector<16xi32>
      %select_n3A_985 = arith.select %gt3A_981, %select_n3A_984, %select_n3A_971 : vector<16xi1>, vector<16xi32>
      %select_n3A_986 = arith.select %gt3A_980, %get3A_977, %select_n3A_972 : vector<16xi1>, vector<16xf32>
      %select_n3A_987 = arith.select %gt3A_980, %broadcast_in_dim3A_979, %select_n3A_973 : vector<16xi1>, vector<16xi32>
      %get3A_988 = arith.constant 43 : i32
      %get3A_989 = arith.index_cast %get3A_988 : i32 to index
      %get3A_990 = arith.index_cast %mul3A_10 : i32 to index
      %get3A_991 = tpu.vector_load %arg5[%get3A_989, %get3A_990] {strides = array<i32>} : memref<64x512xf32, #tpu.memory_space<vmem>>, vector<16xf32>,
      %broadcast_in_dim3A_992 = arith.constant 43 : i32
      %broadcast_in_dim3A_993 = vector.broadcast %broadcast_in_dim3A_992 : i32 to vector<16xi32>
      %gt3A_994 = arith.cmpf ogt, %get3A_991, %select_n3A_986 : vector<16xf32>
      %gt3A_995 = arith.cmpf ogt, %get3A_991, %select_n3A_983 : vector<16xf32>
      %select_n3A_996 = arith.select %gt3A_994, %select_n3A_986, %get3A_991 : vector<16xi1>, vector<16xf32>
      %select_n3A_997 = arith.select %gt3A_995, %select_n3A_996, %select_n3A_983 : vector<16xi1>, vector<16xf32>
      %select_n3A_998 = arith.select %gt3A_994, %select_n3A_987, %broadcast_in_dim3A_993 : vector<16xi1>, vector<16xi32>
      %select_n3A_999 = arith.select %gt3A_995, %select_n3A_998, %select_n3A_985 : vector<16xi1>, vector<16xi32>
      %select_n3A_1000 = arith.select %gt3A_994, %get3A_991, %select_n3A_986 : vector<16xi1>, vector<16xf32>
      %select_n3A_1001 = arith.select %gt3A_994, %broadcast_in_dim3A_993, %select_n3A_987 : vector<16xi1>, vector<16xi32>
      %get3A_1002 = arith.constant 44 : i32
      %get3A_1003 = arith.index_cast %get3A_1002 : i32 to index
      %get3A_1004 = arith.index_cast %mul3A_10 : i32 to index
      %get3A_1005 = tpu.vector_load %arg5[%get3A_1003, %get3A_1004] {strides = array<i32>} : memref<64x512xf32, #tpu.memory_space<vmem>>, vector<16xf32>,
      %broadcast_in_dim3A_1006 = arith.constant 44 : i32
      %broadcast_in_dim3A_1007 = vector.broadcast %broadcast_in_dim3A_1006 : i32 to vector<16xi32>
      %gt3A_1008 = arith.cmpf ogt, %get3A_1005, %select_n3A_1000 : vector<16xf32>
      %gt3A_1009 = arith.cmpf ogt, %get3A_1005, %select_n3A_997 : vector<16xf32>
      %select_n3A_1010 = arith.select %gt3A_1008, %select_n3A_1000, %get3A_1005 : vector<16xi1>, vector<16xf32>
      %select_n3A_1011 = arith.select %gt3A_1009, %select_n3A_1010, %select_n3A_997 : vector<16xi1>, vector<16xf32>
      %select_n3A_1012 = arith.select %gt3A_1008, %select_n3A_1001, %broadcast_in_dim3A_1007 : vector<16xi1>, vector<16xi32>
      %select_n3A_1013 = arith.select %gt3A_1009, %select_n3A_1012, %select_n3A_999 : vector<16xi1>, vector<16xi32>
      %select_n3A_1014 = arith.select %gt3A_1008, %get3A_1005, %select_n3A_1000 : vector<16xi1>, vector<16xf32>
      %select_n3A_1015 = arith.select %gt3A_1008, %broadcast_in_dim3A_1007, %select_n3A_1001 : vector<16xi1>, vector<16xi32>
      %get3A_1016 = arith.constant 45 : i32
      %get3A_1017 = arith.index_cast %get3A_1016 : i32 to index
      %get3A_1018 = arith.index_cast %mul3A_10 : i32 to index
      %get3A_1019 = tpu.vector_load %arg5[%get3A_1017, %get3A_1018] {strides = array<i32>} : memref<64x512xf32, #tpu.memory_space<vmem>>, vector<16xf32>,
      %broadcast_in_dim3A_1020 = arith.constant 45 : i32
      %broadcast_in_dim3A_1021 = vector.broadcast %broadcast_in_dim3A_1020 : i32 to vector<16xi32>
      %gt3A_1022 = arith.cmpf ogt, %get3A_1019, %select_n3A_1014 : vector<16xf32>
      %gt3A_1023 = arith.cmpf ogt, %get3A_1019, %select_n3A_1011 : vector<16xf32>
      %select_n3A_1024 = arith.select %gt3A_1022, %select_n3A_1014, %get3A_1019 : vector<16xi1>, vector<16xf32>
      %select_n3A_1025 = arith.select %gt3A_1023, %select_n3A_1024, %select_n3A_1011 : vector<16xi1>, vector<16xf32>
      %select_n3A_1026 = arith.select %gt3A_1022, %select_n3A_1015, %broadcast_in_dim3A_1021 : vector<16xi1>, vector<16xi32>
      %select_n3A_1027 = arith.select %gt3A_1023, %select_n3A_1026, %select_n3A_1013 : vector<16xi1>, vector<16xi32>
      %select_n3A_1028 = arith.select %gt3A_1022, %get3A_1019, %select_n3A_1014 : vector<16xi1>, vector<16xf32>
      %select_n3A_1029 = arith.select %gt3A_1022, %broadcast_in_dim3A_1021, %select_n3A_1015 : vector<16xi1>, vector<16xi32>
      %get3A_1030 = arith.constant 46 : i32
      %get3A_1031 = arith.index_cast %get3A_1030 : i32 to index
      %get3A_1032 = arith.index_cast %mul3A_10 : i32 to index
      %get3A_1033 = tpu.vector_load %arg5[%get3A_1031, %get3A_1032] {strides = array<i32>} : memref<64x512xf32, #tpu.memory_space<vmem>>, vector<16xf32>,
      %broadcast_in_dim3A_1034 = arith.constant 46 : i32
      %broadcast_in_dim3A_1035 = vector.broadcast %broadcast_in_dim3A_1034 : i32 to vector<16xi32>
      %gt3A_1036 = arith.cmpf ogt, %get3A_1033, %select_n3A_1028 : vector<16xf32>
      %gt3A_1037 = arith.cmpf ogt, %get3A_1033, %select_n3A_1025 : vector<16xf32>
      %select_n3A_1038 = arith.select %gt3A_1036, %select_n3A_1028, %get3A_1033 : vector<16xi1>, vector<16xf32>
      %select_n3A_1039 = arith.select %gt3A_1037, %select_n3A_1038, %select_n3A_1025 : vector<16xi1>, vector<16xf32>
      %select_n3A_1040 = arith.select %gt3A_1036, %select_n3A_1029, %broadcast_in_dim3A_1035 : vector<16xi1>, vector<16xi32>
      %select_n3A_1041 = arith.select %gt3A_1037, %select_n3A_1040, %select_n3A_1027 : vector<16xi1>, vector<16xi32>
      %select_n3A_1042 = arith.select %gt3A_1036, %get3A_1033, %select_n3A_1028 : vector<16xi1>, vector<16xf32>
      %select_n3A_1043 = arith.select %gt3A_1036, %broadcast_in_dim3A_1035, %select_n3A_1029 : vector<16xi1>, vector<16xi32>
      %get3A_1044 = arith.constant 47 : i32
      %get3A_1045 = arith.index_cast %get3A_1044 : i32 to index
      %get3A_1046 = arith.index_cast %mul3A_10 : i32 to index
      %get3A_1047 = tpu.vector_load %arg5[%get3A_1045, %get3A_1046] {strides = array<i32>} : memref<64x512xf32, #tpu.memory_space<vmem>>, vector<16xf32>,
      %broadcast_in_dim3A_1048 = arith.constant 47 : i32
      %broadcast_in_dim3A_1049 = vector.broadcast %broadcast_in_dim3A_1048 : i32 to vector<16xi32>
      %gt3A_1050 = arith.cmpf ogt, %get3A_1047, %select_n3A_1042 : vector<16xf32>
      %gt3A_1051 = arith.cmpf ogt, %get3A_1047, %select_n3A_1039 : vector<16xf32>
      %select_n3A_1052 = arith.select %gt3A_1050, %select_n3A_1042, %get3A_1047 : vector<16xi1>, vector<16xf32>
      %select_n3A_1053 = arith.select %gt3A_1051, %select_n3A_1052, %select_n3A_1039 : vector<16xi1>, vector<16xf32>
      %select_n3A_1054 = arith.select %gt3A_1050, %select_n3A_1043, %broadcast_in_dim3A_1049 : vector<16xi1>, vector<16xi32>
      %select_n3A_1055 = arith.select %gt3A_1051, %select_n3A_1054, %select_n3A_1041 : vector<16xi1>, vector<16xi32>
      %select_n3A_1056 = arith.select %gt3A_1050, %get3A_1047, %select_n3A_1042 : vector<16xi1>, vector<16xf32>
      %select_n3A_1057 = arith.select %gt3A_1050, %broadcast_in_dim3A_1049, %select_n3A_1043 : vector<16xi1>, vector<16xi32>
      %get3A_1058 = arith.constant 48 : i32
      %get3A_1059 = arith.index_cast %get3A_1058 : i32 to index
      %get3A_1060 = arith.index_cast %mul3A_10 : i32 to index
      %get3A_1061 = tpu.vector_load %arg5[%get3A_1059, %get3A_1060] {strides = array<i32>} : memref<64x512xf32, #tpu.memory_space<vmem>>, vector<16xf32>,
      %broadcast_in_dim3A_1062 = arith.constant 48 : i32
      %broadcast_in_dim3A_1063 = vector.broadcast %broadcast_in_dim3A_1062 : i32 to vector<16xi32>
      %gt3A_1064 = arith.cmpf ogt, %get3A_1061, %select_n3A_1056 : vector<16xf32>
      %gt3A_1065 = arith.cmpf ogt, %get3A_1061, %select_n3A_1053 : vector<16xf32>
      %select_n3A_1066 = arith.select %gt3A_1064, %select_n3A_1056, %get3A_1061 : vector<16xi1>, vector<16xf32>
      %select_n3A_1067 = arith.select %gt3A_1065, %select_n3A_1066, %select_n3A_1053 : vector<16xi1>, vector<16xf32>
      %select_n3A_1068 = arith.select %gt3A_1064, %select_n3A_1057, %broadcast_in_dim3A_1063 : vector<16xi1>, vector<16xi32>
      %select_n3A_1069 = arith.select %gt3A_1065, %select_n3A_1068, %select_n3A_1055 : vector<16xi1>, vector<16xi32>
      %select_n3A_1070 = arith.select %gt3A_1064, %get3A_1061, %select_n3A_1056 : vector<16xi1>, vector<16xf32>
      %select_n3A_1071 = arith.select %gt3A_1064, %broadcast_in_dim3A_1063, %select_n3A_1057 : vector<16xi1>, vector<16xi32>
      %get3A_1072 = arith.constant 49 : i32
      %get3A_1073 = arith.index_cast %get3A_1072 : i32 to index
      %get3A_1074 = arith.index_cast %mul3A_10 : i32 to index
      %get3A_1075 = tpu.vector_load %arg5[%get3A_1073, %get3A_1074] {strides = array<i32>} : memref<64x512xf32, #tpu.memory_space<vmem>>, vector<16xf32>,
      %broadcast_in_dim3A_1076 = arith.constant 49 : i32
      %broadcast_in_dim3A_1077 = vector.broadcast %broadcast_in_dim3A_1076 : i32 to vector<16xi32>
      %gt3A_1078 = arith.cmpf ogt, %get3A_1075, %select_n3A_1070 : vector<16xf32>
      %gt3A_1079 = arith.cmpf ogt, %get3A_1075, %select_n3A_1067 : vector<16xf32>
      %select_n3A_1080 = arith.select %gt3A_1078, %select_n3A_1070, %get3A_1075 : vector<16xi1>, vector<16xf32>
      %select_n3A_1081 = arith.select %gt3A_1079, %select_n3A_1080, %select_n3A_1067 : vector<16xi1>, vector<16xf32>
      %select_n3A_1082 = arith.select %gt3A_1078, %select_n3A_1071, %broadcast_in_dim3A_1077 : vector<16xi1>, vector<16xi32>
      %select_n3A_1083 = arith.select %gt3A_1079, %select_n3A_1082, %select_n3A_1069 : vector<16xi1>, vector<16xi32>
      %select_n3A_1084 = arith.select %gt3A_1078, %get3A_1075, %select_n3A_1070 : vector<16xi1>, vector<16xf32>
      %select_n3A_1085 = arith.select %gt3A_1078, %broadcast_in_dim3A_1077, %select_n3A_1071 : vector<16xi1>, vector<16xi32>
      %get3A_1086 = arith.constant 50 : i32
      %get3A_1087 = arith.index_cast %get3A_1086 : i32 to index
      %get3A_1088 = arith.index_cast %mul3A_10 : i32 to index
      %get3A_1089 = tpu.vector_load %arg5[%get3A_1087, %get3A_1088] {strides = array<i32>} : memref<64x512xf32, #tpu.memory_space<vmem>>, vector<16xf32>,
      %broadcast_in_dim3A_1090 = arith.constant 50 : i32
      %broadcast_in_dim3A_1091 = vector.broadcast %broadcast_in_dim3A_1090 : i32 to vector<16xi32>
      %gt3A_1092 = arith.cmpf ogt, %get3A_1089, %select_n3A_1084 : vector<16xf32>
      %gt3A_1093 = arith.cmpf ogt, %get3A_1089, %select_n3A_1081 : vector<16xf32>
      %select_n3A_1094 = arith.select %gt3A_1092, %select_n3A_1084, %get3A_1089 : vector<16xi1>, vector<16xf32>
      %select_n3A_1095 = arith.select %gt3A_1093, %select_n3A_1094, %select_n3A_1081 : vector<16xi1>, vector<16xf32>
      %select_n3A_1096 = arith.select %gt3A_1092, %select_n3A_1085, %broadcast_in_dim3A_1091 : vector<16xi1>, vector<16xi32>
      %select_n3A_1097 = arith.select %gt3A_1093, %select_n3A_1096, %select_n3A_1083 : vector<16xi1>, vector<16xi32>
      %select_n3A_1098 = arith.select %gt3A_1092, %get3A_1089, %select_n3A_1084 : vector<16xi1>, vector<16xf32>
      %select_n3A_1099 = arith.select %gt3A_1092, %broadcast_in_dim3A_1091, %select_n3A_1085 : vector<16xi1>, vector<16xi32>
      %get3A_1100 = arith.constant 51 : i32
      %get3A_1101 = arith.index_cast %get3A_1100 : i32 to index
      %get3A_1102 = arith.index_cast %mul3A_10 : i32 to index
      %get3A_1103 = tpu.vector_load %arg5[%get3A_1101, %get3A_1102] {strides = array<i32>} : memref<64x512xf32, #tpu.memory_space<vmem>>, vector<16xf32>,
      %broadcast_in_dim3A_1104 = arith.constant 51 : i32
      %broadcast_in_dim3A_1105 = vector.broadcast %broadcast_in_dim3A_1104 : i32 to vector<16xi32>
      %gt3A_1106 = arith.cmpf ogt, %get3A_1103, %select_n3A_1098 : vector<16xf32>
      %gt3A_1107 = arith.cmpf ogt, %get3A_1103, %select_n3A_1095 : vector<16xf32>
      %select_n3A_1108 = arith.select %gt3A_1106, %select_n3A_1098, %get3A_1103 : vector<16xi1>, vector<16xf32>
      %select_n3A_1109 = arith.select %gt3A_1107, %select_n3A_1108, %select_n3A_1095 : vector<16xi1>, vector<16xf32>
      %select_n3A_1110 = arith.select %gt3A_1106, %select_n3A_1099, %broadcast_in_dim3A_1105 : vector<16xi1>, vector<16xi32>
      %select_n3A_1111 = arith.select %gt3A_1107, %select_n3A_1110, %select_n3A_1097 : vector<16xi1>, vector<16xi32>
      %select_n3A_1112 = arith.select %gt3A_1106, %get3A_1103, %select_n3A_1098 : vector<16xi1>, vector<16xf32>
      %select_n3A_1113 = arith.select %gt3A_1106, %broadcast_in_dim3A_1105, %select_n3A_1099 : vector<16xi1>, vector<16xi32>
      %get3A_1114 = arith.constant 52 : i32
      %get3A_1115 = arith.index_cast %get3A_1114 : i32 to index
      %get3A_1116 = arith.index_cast %mul3A_10 : i32 to index
      %get3A_1117 = tpu.vector_load %arg5[%get3A_1115, %get3A_1116] {strides = array<i32>} : memref<64x512xf32, #tpu.memory_space<vmem>>, vector<16xf32>,
      %broadcast_in_dim3A_1118 = arith.constant 52 : i32
      %broadcast_in_dim3A_1119 = vector.broadcast %broadcast_in_dim3A_1118 : i32 to vector<16xi32>
      %gt3A_1120 = arith.cmpf ogt, %get3A_1117, %select_n3A_1112 : vector<16xf32>
      %gt3A_1121 = arith.cmpf ogt, %get3A_1117, %select_n3A_1109 : vector<16xf32>
      %select_n3A_1122 = arith.select %gt3A_1120, %select_n3A_1112, %get3A_1117 : vector<16xi1>, vector<16xf32>
      %select_n3A_1123 = arith.select %gt3A_1121, %select_n3A_1122, %select_n3A_1109 : vector<16xi1>, vector<16xf32>
      %select_n3A_1124 = arith.select %gt3A_1120, %select_n3A_1113, %broadcast_in_dim3A_1119 : vector<16xi1>, vector<16xi32>
      %select_n3A_1125 = arith.select %gt3A_1121, %select_n3A_1124, %select_n3A_1111 : vector<16xi1>, vector<16xi32>
      %select_n3A_1126 = arith.select %gt3A_1120, %get3A_1117, %select_n3A_1112 : vector<16xi1>, vector<16xf32>
      %select_n3A_1127 = arith.select %gt3A_1120, %broadcast_in_dim3A_1119, %select_n3A_1113 : vector<16xi1>, vector<16xi32>
      %get3A_1128 = arith.constant 53 : i32
      %get3A_1129 = arith.index_cast %get3A_1128 : i32 to index
      %get3A_1130 = arith.index_cast %mul3A_10 : i32 to index
      %get3A_1131 = tpu.vector_load %arg5[%get3A_1129, %get3A_1130] {strides = array<i32>} : memref<64x512xf32, #tpu.memory_space<vmem>>, vector<16xf32>,
      %broadcast_in_dim3A_1132 = arith.constant 53 : i32
      %broadcast_in_dim3A_1133 = vector.broadcast %broadcast_in_dim3A_1132 : i32 to vector<16xi32>
      %gt3A_1134 = arith.cmpf ogt, %get3A_1131, %select_n3A_1126 : vector<16xf32>
      %gt3A_1135 = arith.cmpf ogt, %get3A_1131, %select_n3A_1123 : vector<16xf32>
      %select_n3A_1136 = arith.select %gt3A_1134, %select_n3A_1126, %get3A_1131 : vector<16xi1>, vector<16xf32>
      %select_n3A_1137 = arith.select %gt3A_1135, %select_n3A_1136, %select_n3A_1123 : vector<16xi1>, vector<16xf32>
      %select_n3A_1138 = arith.select %gt3A_1134, %select_n3A_1127, %broadcast_in_dim3A_1133 : vector<16xi1>, vector<16xi32>
      %select_n3A_1139 = arith.select %gt3A_1135, %select_n3A_1138, %select_n3A_1125 : vector<16xi1>, vector<16xi32>
      %select_n3A_1140 = arith.select %gt3A_1134, %get3A_1131, %select_n3A_1126 : vector<16xi1>, vector<16xf32>
      %select_n3A_1141 = arith.select %gt3A_1134, %broadcast_in_dim3A_1133, %select_n3A_1127 : vector<16xi1>, vector<16xi32>
      %get3A_1142 = arith.constant 54 : i32
      %get3A_1143 = arith.index_cast %get3A_1142 : i32 to index
      %get3A_1144 = arith.index_cast %mul3A_10 : i32 to index
      %get3A_1145 = tpu.vector_load %arg5[%get3A_1143, %get3A_1144] {strides = array<i32>} : memref<64x512xf32, #tpu.memory_space<vmem>>, vector<16xf32>,
      %broadcast_in_dim3A_1146 = arith.constant 54 : i32
      %broadcast_in_dim3A_1147 = vector.broadcast %broadcast_in_dim3A_1146 : i32 to vector<16xi32>
      %gt3A_1148 = arith.cmpf ogt, %get3A_1145, %select_n3A_1140 : vector<16xf32>
      %gt3A_1149 = arith.cmpf ogt, %get3A_1145, %select_n3A_1137 : vector<16xf32>
      %select_n3A_1150 = arith.select %gt3A_1148, %select_n3A_1140, %get3A_1145 : vector<16xi1>, vector<16xf32>
      %select_n3A_1151 = arith.select %gt3A_1149, %select_n3A_1150, %select_n3A_1137 : vector<16xi1>, vector<16xf32>
      %select_n3A_1152 = arith.select %gt3A_1148, %select_n3A_1141, %broadcast_in_dim3A_1147 : vector<16xi1>, vector<16xi32>
      %select_n3A_1153 = arith.select %gt3A_1149, %select_n3A_1152, %select_n3A_1139 : vector<16xi1>, vector<16xi32>
      %select_n3A_1154 = arith.select %gt3A_1148, %get3A_1145, %select_n3A_1140 : vector<16xi1>, vector<16xf32>
      %select_n3A_1155 = arith.select %gt3A_1148, %broadcast_in_dim3A_1147, %select_n3A_1141 : vector<16xi1>, vector<16xi32>
      %get3A_1156 = arith.constant 55 : i32
      %get3A_1157 = arith.index_cast %get3A_1156 : i32 to index
      %get3A_1158 = arith.index_cast %mul3A_10 : i32 to index
      %get3A_1159 = tpu.vector_load %arg5[%get3A_1157, %get3A_1158] {strides = array<i32>} : memref<64x512xf32, #tpu.memory_space<vmem>>, vector<16xf32>,
      %broadcast_in_dim3A_1160 = arith.constant 55 : i32
      %broadcast_in_dim3A_1161 = vector.broadcast %broadcast_in_dim3A_1160 : i32 to vector<16xi32>
      %gt3A_1162 = arith.cmpf ogt, %get3A_1159, %select_n3A_1154 : vector<16xf32>
      %gt3A_1163 = arith.cmpf ogt, %get3A_1159, %select_n3A_1151 : vector<16xf32>
      %select_n3A_1164 = arith.select %gt3A_1162, %select_n3A_1154, %get3A_1159 : vector<16xi1>, vector<16xf32>
      %select_n3A_1165 = arith.select %gt3A_1163, %select_n3A_1164, %select_n3A_1151 : vector<16xi1>, vector<16xf32>
      %select_n3A_1166 = arith.select %gt3A_1162, %select_n3A_1155, %broadcast_in_dim3A_1161 : vector<16xi1>, vector<16xi32>
      %select_n3A_1167 = arith.select %gt3A_1163, %select_n3A_1166, %select_n3A_1153 : vector<16xi1>, vector<16xi32>
      %select_n3A_1168 = arith.select %gt3A_1162, %get3A_1159, %select_n3A_1154 : vector<16xi1>, vector<16xf32>
      %select_n3A_1169 = arith.select %gt3A_1162, %broadcast_in_dim3A_1161, %select_n3A_1155 : vector<16xi1>, vector<16xi32>
      %get3A_1170 = arith.constant 56 : i32
      %get3A_1171 = arith.index_cast %get3A_1170 : i32 to index
      %get3A_1172 = arith.index_cast %mul3A_10 : i32 to index
      %get3A_1173 = tpu.vector_load %arg5[%get3A_1171, %get3A_1172] {strides = array<i32>} : memref<64x512xf32, #tpu.memory_space<vmem>>, vector<16xf32>,
      %broadcast_in_dim3A_1174 = arith.constant 56 : i32
      %broadcast_in_dim3A_1175 = vector.broadcast %broadcast_in_dim3A_1174 : i32 to vector<16xi32>
      %gt3A_1176 = arith.cmpf ogt, %get3A_1173, %select_n3A_1168 : vector<16xf32>
      %gt3A_1177 = arith.cmpf ogt, %get3A_1173, %select_n3A_1165 : vector<16xf32>
      %select_n3A_1178 = arith.select %gt3A_1176, %select_n3A_1168, %get3A_1173 : vector<16xi1>, vector<16xf32>
      %select_n3A_1179 = arith.select %gt3A_1177, %select_n3A_1178, %select_n3A_1165 : vector<16xi1>, vector<16xf32>
      %select_n3A_1180 = arith.select %gt3A_1176, %select_n3A_1169, %broadcast_in_dim3A_1175 : vector<16xi1>, vector<16xi32>
      %select_n3A_1181 = arith.select %gt3A_1177, %select_n3A_1180, %select_n3A_1167 : vector<16xi1>, vector<16xi32>
      %select_n3A_1182 = arith.select %gt3A_1176, %get3A_1173, %select_n3A_1168 : vector<16xi1>, vector<16xf32>
      %select_n3A_1183 = arith.select %gt3A_1176, %broadcast_in_dim3A_1175, %select_n3A_1169 : vector<16xi1>, vector<16xi32>
      %get3A_1184 = arith.constant 57 : i32
      %get3A_1185 = arith.index_cast %get3A_1184 : i32 to index
      %get3A_1186 = arith.index_cast %mul3A_10 : i32 to index
      %get3A_1187 = tpu.vector_load %arg5[%get3A_1185, %get3A_1186] {strides = array<i32>} : memref<64x512xf32, #tpu.memory_space<vmem>>, vector<16xf32>,
      %broadcast_in_dim3A_1188 = arith.constant 57 : i32
      %broadcast_in_dim3A_1189 = vector.broadcast %broadcast_in_dim3A_1188 : i32 to vector<16xi32>
      %gt3A_1190 = arith.cmpf ogt, %get3A_1187, %select_n3A_1182 : vector<16xf32>
      %gt3A_1191 = arith.cmpf ogt, %get3A_1187, %select_n3A_1179 : vector<16xf32>
      %select_n3A_1192 = arith.select %gt3A_1190, %select_n3A_1182, %get3A_1187 : vector<16xi1>, vector<16xf32>
      %select_n3A_1193 = arith.select %gt3A_1191, %select_n3A_1192, %select_n3A_1179 : vector<16xi1>, vector<16xf32>
      %select_n3A_1194 = arith.select %gt3A_1190, %select_n3A_1183, %broadcast_in_dim3A_1189 : vector<16xi1>, vector<16xi32>
      %select_n3A_1195 = arith.select %gt3A_1191, %select_n3A_1194, %select_n3A_1181 : vector<16xi1>, vector<16xi32>
      %select_n3A_1196 = arith.select %gt3A_1190, %get3A_1187, %select_n3A_1182 : vector<16xi1>, vector<16xf32>
      %select_n3A_1197 = arith.select %gt3A_1190, %broadcast_in_dim3A_1189, %select_n3A_1183 : vector<16xi1>, vector<16xi32>
      %get3A_1198 = arith.constant 58 : i32
      %get3A_1199 = arith.index_cast %get3A_1198 : i32 to index
      %get3A_1200 = arith.index_cast %mul3A_10 : i32 to index
      %get3A_1201 = tpu.vector_load %arg5[%get3A_1199, %get3A_1200] {strides = array<i32>} : memref<64x512xf32, #tpu.memory_space<vmem>>, vector<16xf32>,
      %broadcast_in_dim3A_1202 = arith.constant 58 : i32
      %broadcast_in_dim3A_1203 = vector.broadcast %broadcast_in_dim3A_1202 : i32 to vector<16xi32>
      %gt3A_1204 = arith.cmpf ogt, %get3A_1201, %select_n3A_1196 : vector<16xf32>
      %gt3A_1205 = arith.cmpf ogt, %get3A_1201, %select_n3A_1193 : vector<16xf32>
      %select_n3A_1206 = arith.select %gt3A_1204, %select_n3A_1196, %get3A_1201 : vector<16xi1>, vector<16xf32>
      %select_n3A_1207 = arith.select %gt3A_1205, %select_n3A_1206, %select_n3A_1193 : vector<16xi1>, vector<16xf32>
      %select_n3A_1208 = arith.select %gt3A_1204, %select_n3A_1197, %broadcast_in_dim3A_1203 : vector<16xi1>, vector<16xi32>
      %select_n3A_1209 = arith.select %gt3A_1205, %select_n3A_1208, %select_n3A_1195 : vector<16xi1>, vector<16xi32>
      %select_n3A_1210 = arith.select %gt3A_1204, %get3A_1201, %select_n3A_1196 : vector<16xi1>, vector<16xf32>
      %select_n3A_1211 = arith.select %gt3A_1204, %broadcast_in_dim3A_1203, %select_n3A_1197 : vector<16xi1>, vector<16xi32>
      %get3A_1212 = arith.constant 59 : i32
      %get3A_1213 = arith.index_cast %get3A_1212 : i32 to index
      %get3A_1214 = arith.index_cast %mul3A_10 : i32 to index
      %get3A_1215 = tpu.vector_load %arg5[%get3A_1213, %get3A_1214] {strides = array<i32>} : memref<64x512xf32, #tpu.memory_space<vmem>>, vector<16xf32>,
      %broadcast_in_dim3A_1216 = arith.constant 59 : i32
      %broadcast_in_dim3A_1217 = vector.broadcast %broadcast_in_dim3A_1216 : i32 to vector<16xi32>
      %gt3A_1218 = arith.cmpf ogt, %get3A_1215, %select_n3A_1210 : vector<16xf32>
      %gt3A_1219 = arith.cmpf ogt, %get3A_1215, %select_n3A_1207 : vector<16xf32>
      %select_n3A_1220 = arith.select %gt3A_1218, %select_n3A_1210, %get3A_1215 : vector<16xi1>, vector<16xf32>
      %select_n3A_1221 = arith.select %gt3A_1219, %select_n3A_1220, %select_n3A_1207 : vector<16xi1>, vector<16xf32>
      %select_n3A_1222 = arith.select %gt3A_1218, %select_n3A_1211, %broadcast_in_dim3A_1217 : vector<16xi1>, vector<16xi32>
      %select_n3A_1223 = arith.select %gt3A_1219, %select_n3A_1222, %select_n3A_1209 : vector<16xi1>, vector<16xi32>
      %select_n3A_1224 = arith.select %gt3A_1218, %get3A_1215, %select_n3A_1210 : vector<16xi1>, vector<16xf32>
      %select_n3A_1225 = arith.select %gt3A_1218, %broadcast_in_dim3A_1217, %select_n3A_1211 : vector<16xi1>, vector<16xi32>
      %get3A_1226 = arith.constant 60 : i32
      %get3A_1227 = arith.index_cast %get3A_1226 : i32 to index
      %get3A_1228 = arith.index_cast %mul3A_10 : i32 to index
      %get3A_1229 = tpu.vector_load %arg5[%get3A_1227, %get3A_1228] {strides = array<i32>} : memref<64x512xf32, #tpu.memory_space<vmem>>, vector<16xf32>,
      %broadcast_in_dim3A_1230 = arith.constant 60 : i32
      %broadcast_in_dim3A_1231 = vector.broadcast %broadcast_in_dim3A_1230 : i32 to vector<16xi32>
      %gt3A_1232 = arith.cmpf ogt, %get3A_1229, %select_n3A_1224 : vector<16xf32>
      %gt3A_1233 = arith.cmpf ogt, %get3A_1229, %select_n3A_1221 : vector<16xf32>
      %select_n3A_1234 = arith.select %gt3A_1232, %select_n3A_1224, %get3A_1229 : vector<16xi1>, vector<16xf32>
      %select_n3A_1235 = arith.select %gt3A_1233, %select_n3A_1234, %select_n3A_1221 : vector<16xi1>, vector<16xf32>
      %select_n3A_1236 = arith.select %gt3A_1232, %select_n3A_1225, %broadcast_in_dim3A_1231 : vector<16xi1>, vector<16xi32>
      %select_n3A_1237 = arith.select %gt3A_1233, %select_n3A_1236, %select_n3A_1223 : vector<16xi1>, vector<16xi32>
      %select_n3A_1238 = arith.select %gt3A_1232, %get3A_1229, %select_n3A_1224 : vector<16xi1>, vector<16xf32>
      %select_n3A_1239 = arith.select %gt3A_1232, %broadcast_in_dim3A_1231, %select_n3A_1225 : vector<16xi1>, vector<16xi32>
      %get3A_1240 = arith.constant 61 : i32
      %get3A_1241 = arith.index_cast %get3A_1240 : i32 to index
      %get3A_1242 = arith.index_cast %mul3A_10 : i32 to index
      %get3A_1243 = tpu.vector_load %arg5[%get3A_1241, %get3A_1242] {strides = array<i32>} : memref<64x512xf32, #tpu.memory_space<vmem>>, vector<16xf32>,
      %broadcast_in_dim3A_1244 = arith.constant 61 : i32
      %broadcast_in_dim3A_1245 = vector.broadcast %broadcast_in_dim3A_1244 : i32 to vector<16xi32>
      %gt3A_1246 = arith.cmpf ogt, %get3A_1243, %select_n3A_1238 : vector<16xf32>
      %gt3A_1247 = arith.cmpf ogt, %get3A_1243, %select_n3A_1235 : vector<16xf32>
      %select_n3A_1248 = arith.select %gt3A_1246, %select_n3A_1238, %get3A_1243 : vector<16xi1>, vector<16xf32>
      %select_n3A_1249 = arith.select %gt3A_1247, %select_n3A_1248, %select_n3A_1235 : vector<16xi1>, vector<16xf32>
      %select_n3A_1250 = arith.select %gt3A_1246, %select_n3A_1239, %broadcast_in_dim3A_1245 : vector<16xi1>, vector<16xi32>
      %select_n3A_1251 = arith.select %gt3A_1247, %select_n3A_1250, %select_n3A_1237 : vector<16xi1>, vector<16xi32>
      %select_n3A_1252 = arith.select %gt3A_1246, %get3A_1243, %select_n3A_1238 : vector<16xi1>, vector<16xf32>
      %select_n3A_1253 = arith.select %gt3A_1246, %broadcast_in_dim3A_1245, %select_n3A_1239 : vector<16xi1>, vector<16xi32>
      %get3A_1254 = arith.constant 62 : i32
      %get3A_1255 = arith.index_cast %get3A_1254 : i32 to index
      %get3A_1256 = arith.index_cast %mul3A_10 : i32 to index
      %get3A_1257 = tpu.vector_load %arg5[%get3A_1255, %get3A_1256] {strides = array<i32>} : memref<64x512xf32, #tpu.memory_space<vmem>>, vector<16xf32>,
      %broadcast_in_dim3A_1258 = arith.constant 62 : i32
      %broadcast_in_dim3A_1259 = vector.broadcast %broadcast_in_dim3A_1258 : i32 to vector<16xi32>
      %gt3A_1260 = arith.cmpf ogt, %get3A_1257, %select_n3A_1252 : vector<16xf32>
      %gt3A_1261 = arith.cmpf ogt, %get3A_1257, %select_n3A_1249 : vector<16xf32>
      %select_n3A_1262 = arith.select %gt3A_1260, %select_n3A_1252, %get3A_1257 : vector<16xi1>, vector<16xf32>
      %select_n3A_1263 = arith.select %gt3A_1261, %select_n3A_1262, %select_n3A_1249 : vector<16xi1>, vector<16xf32>
      %select_n3A_1264 = arith.select %gt3A_1260, %select_n3A_1253, %broadcast_in_dim3A_1259 : vector<16xi1>, vector<16xi32>
      %select_n3A_1265 = arith.select %gt3A_1261, %select_n3A_1264, %select_n3A_1251 : vector<16xi1>, vector<16xi32>
      %select_n3A_1266 = arith.select %gt3A_1260, %get3A_1257, %select_n3A_1252 : vector<16xi1>, vector<16xf32>
      %select_n3A_1267 = arith.select %gt3A_1260, %broadcast_in_dim3A_1259, %select_n3A_1253 : vector<16xi1>, vector<16xi32>
      %get3A_1268 = arith.constant 63 : i32
      %get3A_1269 = arith.index_cast %get3A_1268 : i32 to index
      %get3A_1270 = arith.index_cast %mul3A_10 : i32 to index
      %get3A_1271 = tpu.vector_load %arg5[%get3A_1269, %get3A_1270] {strides = array<i32>} : memref<64x512xf32, #tpu.memory_space<vmem>>, vector<16xf32>,
      %broadcast_in_dim3A_1272 = arith.constant 63 : i32
      %broadcast_in_dim3A_1273 = vector.broadcast %broadcast_in_dim3A_1272 : i32 to vector<16xi32>
      %gt3A_1274 = arith.cmpf ogt, %get3A_1271, %select_n3A_1266 : vector<16xf32>
      %gt3A_1275 = arith.cmpf ogt, %get3A_1271, %select_n3A_1263 : vector<16xf32>
      %select_n3A_1276 = arith.select %gt3A_1274, %select_n3A_1266, %get3A_1271 : vector<16xi1>, vector<16xf32>
      %select_n3A_1277 = arith.select %gt3A_1275, %select_n3A_1276, %select_n3A_1263 : vector<16xi1>, vector<16xf32>
      %select_n3A_1278 = arith.select %gt3A_1274, %select_n3A_1267, %broadcast_in_dim3A_1273 : vector<16xi1>, vector<16xi32>
      %select_n3A_1279 = arith.select %gt3A_1275, %select_n3A_1278, %select_n3A_1265 : vector<16xi1>, vector<16xi32>
      %select_n3A_1280 = arith.select %gt3A_1274, %get3A_1271, %select_n3A_1266 : vector<16xi1>, vector<16xf32>
      %select_n3A_1281 = arith.select %gt3A_1274, %broadcast_in_dim3A_1273, %select_n3A_1267 : vector<16xi1>, vector<16xi32>
      %sub3A = arith.subf %select_n3A_1277, %select_n3A_1280 : vector<16xf32>
      %exp3A = math.exp %sub3A : vector<16xf32>
      %add3A_1282 = arith.constant 1.000000e+00 : f32
      %add3A_1283 = vector.broadcast %add3A_1282 : f32 to vector<16xf32>
      %add3A_1284 = arith.addf %add3A_1283, %exp3A : vector<16xf32>
      %div3A = arith.constant 1.000000e+00 : f32
      %div3A_1285 = vector.broadcast %div3A : f32 to vector<16xf32>
      %div3A_1286 = arith.divf %div3A_1285, %add3A_1284 : vector<16xf32>
      %div3A_1287 = arith.divf %exp3A, %add3A_1284 : vector<16xf32>
      %add3A_1288 = vector.broadcast %mul3A_10 : i32 to vector<16xi32>
      %add3A_1289 = arith.addi %add3A_1288, %iota3A : vector<16xi32>
      tpu.vector_store_idx %arg6[%select_n3A_1281, %add3A_1289], %div3A_1286 : memref<64x512xf32, #tpu.memory_space<vmem>>[vector<16xi32>, vector<16xi32>], vector<16xf32>,
      tpu.vector_store_idx %arg6[%select_n3A_1279, %add3A_1289], %div3A_1287 : memref<64x512xf32, #tpu.memory_space<vmem>>[vector<16xi32>, vector<16xi32>], vector<16xf32>,
      %swap3A_1290 = arith.constant 0 : i32
      %swap3A_1291 = arith.index_cast %swap3A_1290 : i32 to index
      %swap3A_1292 = arith.index_cast %mul3A_10 : i32 to index
      %swap3A_1293 = tpu.vector_load %arg7[%swap3A_1291, %swap3A_1292] {strides = array<i32>} : memref<2x512xi32, #tpu.memory_space<vmem>>, vector<16xi32>,
      tpu.vector_store %arg7[%swap3A_1291, %swap3A_1292], %select_n3A_1281 {strides = array<i32>} : memref<2x512xi32, #tpu.memory_space<vmem>>, vector<16xi32>,
      %swap3A_1294 = arith.constant 1 : i32
      %swap3A_1295 = arith.index_cast %swap3A_1294 : i32 to index
      %swap3A_1296 = arith.index_cast %mul3A_10 : i32 to index
      %swap3A_1297 = tpu.vector_load %arg7[%swap3A_1295, %swap3A_1296] {strides = array<i32>} : memref<2x512xi32, #tpu.memory_space<vmem>>, vector<16xi32>,
      tpu.vector_store %arg7[%swap3A_1295, %swap3A_1296], %select_n3A_1279 {strides = array<i32>} : memref<2x512xi32, #tpu.memory_space<vmem>>, vector<16xi32>,
    }
    %scan3A_7 = arith.constant 32 : i32
    "tpu.region"() ({
      %run_scoped3A = tpu.sem_alloc : memref<!tpu.dma_semaphore, #tpu.memory_space<semaphore_mem>>
      %dma_start3A = arith.constant 0 : i32
      %dma_start3A_8 = tpu.memref_slice %arg3[%dma_start3A, %mul3A_2] : memref<64x16384xf32, #tpu.memory_space<hbm>> -> memref<64x512xf32, #tpu.memory_space<hbm>>
      %dma_start3A_9 = arith.constant 0 : i32
      %dma_start3A_10 = tpu.memref_slice %arg3[%dma_start3A_9, %mul3A_2] : memref<64x16384xf32, #tpu.memory_space<hbm>> -> memref<64x512xf32, #tpu.memory_space<hbm>>
      tpu.enqueue_dma source(%arg6 : memref<64x512xf32, #tpu.memory_space<vmem>>) target(%dma_start3A_10 : memref<64x512xf32, #tpu.memory_space<hbm>>) target_semaphore(%run_scoped3A : memref<!tpu.dma_semaphore, #tpu.memory_space<semaphore_mem>>)
      %dma_wait3A = arith.constant 0 : i32
      %dma_wait3A_11 = tpu.memref_slice %arg3[%dma_wait3A, %mul3A_2] : memref<64x16384xf32, #tpu.memory_space<hbm>> -> memref<64x512xf32, #tpu.memory_space<hbm>>
      %dma_wait3A_12 = arith.constant 0 : i32
      %dma_wait3A_13 = tpu.memref_slice %arg3[%dma_wait3A_12, %mul3A_2] : memref<64x16384xf32, #tpu.memory_space<hbm>> -> memref<64x512xf32, #tpu.memory_space<hbm>>
      tpu.wait_dma2 semaphore(%run_scoped3A : memref<!tpu.dma_semaphore, #tpu.memory_space<semaphore_mem>>) src(%arg6 : memref<64x512xf32, #tpu.memory_space<vmem>>) dst(%dma_wait3A_13 : memref<64x512xf32, #tpu.memory_space<hbm>>)
      tpu.yield
    }) : () -> ()
    "tpu.region"() ({
      %run_scoped3A = tpu.sem_alloc : memref<!tpu.dma_semaphore, #tpu.memory_space<semaphore_mem>>
      %dma_start3A = arith.constant 0 : i32
      %dma_start3A_8 = tpu.memref_slice %arg4[%dma_start3A, %mul3A_2] : memref<2x16384xi32, #tpu.memory_space<hbm>> -> memref<2x512xi32, #tpu.memory_space<hbm>>
      %dma_start3A_9 = arith.constant 0 : i32
      %dma_start3A_10 = tpu.memref_slice %arg4[%dma_start3A_9, %mul3A_2] : memref<2x16384xi32, #tpu.memory_space<hbm>> -> memref<2x512xi32, #tpu.memory_space<hbm>>
      tpu.enqueue_dma source(%arg7 : memref<2x512xi32, #tpu.memory_space<vmem>>) target(%dma_start3A_10 : memref<2x512xi32, #tpu.memory_space<hbm>>) target_semaphore(%run_scoped3A : memref<!tpu.dma_semaphore, #tpu.memory_space<semaphore_mem>>)
      %dma_wait3A = arith.constant 0 : i32
      %dma_wait3A_11 = tpu.memref_slice %arg4[%dma_wait3A, %mul3A_2] : memref<2x16384xi32, #tpu.memory_space<hbm>> -> memref<2x512xi32, #tpu.memory_space<hbm>>
      %dma_wait3A_12 = arith.constant 0 : i32
      %dma_wait3A_13 = tpu.memref_slice %arg4[%dma_wait3A_12, %mul3A_2] : memref<2x16384xi32, #tpu.memory_space<hbm>> -> memref<2x512xi32, #tpu.memory_space<hbm>>
      tpu.wait_dma2 semaphore(%run_scoped3A : memref<!tpu.dma_semaphore, #tpu.memory_space<semaphore_mem>>) src(%arg7 : memref<2x512xi32, #tpu.memory_space<vmem>>) dst(%dma_wait3A_13 : memref<2x512xi32, #tpu.memory_space<hbm>>)
      tpu.yield
    }) : () -> ()
    return
  }
}

module attributes {stable_mosaic.version = 14 : i64} {
  func.func @_tc_logits_body(%arg0: i32, %arg1: memref<1024x2048xf32, #tpu.memory_space<vmem>>, %arg2: memref<64x2048xf32, #tpu.memory_space<vmem>>, %arg3: memref<2x64x512xf32, #tpu.memory_space<vmem>>) attributes {dimension_semantics = [#tpu.dimension_semantics<arbitrary>], iteration_bounds = array<i64: 16>, scalar_prefetch = 0 : i64, scratch_operands = 0 : i64, tpu.core_type = #tpu.core_type<tc>, window_params = [{transform_indices = @transform_0, window_bounds = array<i64: 1024, 2048>}, {pipeline_mode = #tpu.pipeline_mode<synchronous>, transform_indices = @transform_1, window_bounds = array<i64: 64, 2048>}, {transform_indices = @transform_2, window_bounds = array<i64: 2, 64, 512>}]} {
    %get3A = arith.constant 0 : index
    %get3A_0 = arith.constant 0 : index
    %get3A_1 = vector.load %arg2[%get3A, %get3A_0] : memref<64x2048xf32, #tpu.memory_space<vmem>>, vector<64x2048xf32>
    %get3A_2 = arith.constant 0 : index
    %get3A_3 = arith.constant 0 : index
    %get3A_4 = vector.load %arg1[%get3A_2, %get3A_3] : memref<1024x2048xf32, #tpu.memory_space<vmem>>, vector<1024x2048xf32>
    %dot_general3A = arith.constant dense<0.000000e+00> : vector<64x1024xf32>
    %dot_general3A_5 = tpu.matmul %get3A_1, %get3A_4, %dot_general3A {dimension_numbers = #tpu.dot_dimension_numbers<[1], [1], [0], [0], [0, 0, 1, 0], [], []>, transpose_lhs_hint = false} : vector<64x2048xf32>, vector<1024x2048xf32>, vector<64x1024xf32> -> vector<64x1024xf32>
    %slice3A = vector.extract_strided_slice %dot_general3A_5 {offsets = [0, 0], sizes = [64, 512], strides = [1, 1]} : vector<64x1024xf32> to vector<64x512xf32>
    %swap3A = arith.constant 0 : index
    %swap3A_6 = arith.constant 0 : index
    %swap3A_7 = arith.constant 0 : index
    %swap3A_8 = vector.load %arg3[%swap3A, %swap3A_6, %swap3A_7] : memref<2x64x512xf32, #tpu.memory_space<vmem>>, vector<1x64x512xf32>
    %swap3A_9 = vector.shape_cast %swap3A_8 : vector<1x64x512xf32> to vector<64x512xf32>
    %swap3A_10 = vector.shape_cast %slice3A : vector<64x512xf32> to vector<1x64x512xf32>
    tpu.vector_store %arg3[%swap3A, %swap3A_6, %swap3A_7], %swap3A_10 {strides = array<i32>} : memref<2x64x512xf32, #tpu.memory_space<vmem>>, vector<1x64x512xf32>,
    %slice3A_11 = vector.extract_strided_slice %dot_general3A_5 {offsets = [0, 512], sizes = [64, 512], strides = [1, 1]} : vector<64x1024xf32> to vector<64x512xf32>
    %swap3A_12 = arith.constant 1 : index
    %swap3A_13 = arith.constant 0 : index
    %swap3A_14 = arith.constant 0 : index
    %swap3A_15 = vector.load %arg3[%swap3A_12, %swap3A_13, %swap3A_14] : memref<2x64x512xf32, #tpu.memory_space<vmem>>, vector<1x64x512xf32>
    %swap3A_16 = vector.shape_cast %swap3A_15 : vector<1x64x512xf32> to vector<64x512xf32>
    %swap3A_17 = vector.shape_cast %slice3A_11 : vector<64x512xf32> to vector<1x64x512xf32>
    tpu.vector_store %arg3[%swap3A_12, %swap3A_13, %swap3A_14], %swap3A_17 {strides = array<i32>} : memref<2x64x512xf32, #tpu.memory_space<vmem>>, vector<1x64x512xf32>,
    return
  }
  func.func @transform_0(%arg0: i32) -> (i32, i32) {
    %c0_i32 = arith.constant 0 : i32
    %c0_i32_0 = arith.constant 0 : i32
    return %arg0, %c0_i32 : i32, i32
  }
  func.func @transform_1(%arg0: i32) -> (i32, i32) {
    %c0_i32 = arith.constant 0 : i32
    %c0_i32_0 = arith.constant 0 : i32
    %c0_i32_1 = arith.constant 0 : i32
    return %c0_i32, %c0_i32_0 : i32, i32
  }
  func.func @transform_2(%arg0: i32) -> (i32, i32, i32) {
    %c0_i32 = arith.constant 0 : i32
    %c0_i32_0 = arith.constant 0 : i32
    %c0_i32_1 = arith.constant 0 : i32
    return %arg0, %c0_i32, %c0_i32_0 : i32, i32, i32
  }
}

</mosaic_0001>

<sc_bundles>
// kernel: kernel.4.cloned.1.call-start
scs
__scs_entry_jumppad:
0x0: {  	(pc) =	sbr.rel $0x88, $3  }
0x1: {  	(tag) =	ssettag $0x0;
	lr =	simm.s32 $0x1  }
0x2: {  	[smem:$0x3F9F] =	sst lr;
	_ =	strace $0xD0000000  }
0x3: {  	_ = 	snop  }
0x4: {  	_ = 	snop  }
0x5: {  	_ = 	snop  }
0x6: {  	_ = 	snop  }
0x7: {  	_ = 	snop  }
__scs_overlays_trampoline_lowered:
0x8: {  	[smem:$0x3FAE] =	sst s0  }
0x9: {  	[smem:$0x3FAF] =	sst s1  }
0xa: {  	[smem:$0x3FB0] =	sst s2  }
0xb: {  	[smem:$0x3FB1] =	sst s3  }
0xc: {  	[smem:$0x3FB2] =	sst s4  }
0xd: {  	[smem:$0x3FB3] =	sst s5  }
0xe: {  	[smem:$0x3FB4] =	sst s6  }
0xf: {  	[smem:$0x3FB5] =	sst s7  }
0x10: {  	[smem:$0x3FB6] =	sst s8  }
0x11: {  	[smem:$0x3FB7] =	sst s9;
	s0 =	simm.s32 @!p0 $0x0  }
0x12: {  	s1 =	sld [smem:$0x3F9D];
	s0 =	simm.s32 @p0 $0x1  }
0x13: {  	[smem:$0x3FB8] =	sst s0;
	s0 =	simm.s32 @!p1 $0x0  }
0x14: {  	s2 =	sld [smem:$0x3F9C];
	s0 =	simm.s32 @p1 $0x1  }
0x15: {  	[smem:$0x3FB9] =	sst s0;
	s0 =	simm.s32 @!p2 $0x0  }
0x16: {  	s3 =	sld [smem:$0x3FDB];
	s0 =	simm.s32 @p2 $0x1  }
0x17: {  	s4 =	simm.s32 $0x1BF5;
	[smem:$0x3FBB] =	sst s0  }
0x18: {  	s0 =	sld [smem:$0x3F9E];
	_ =	swait.ge [sflag:s4], $0x0  }
0x19: {  	s7 =	sld [smem:$0x3F9F]  }
0x1a: {  	s8 =	sadd.s32 $0xFFFFE003, lr  }
0x1b: {  	s9 =	sadd.s32 $0xFFFFFEF7, lr;
	s5 =	simm.s32 $0xFFFFFFFF;
	p2 =	slt.u32 s8, $0xFFFFF086  }
0x1c: {  	p1 =	slt.u32 s9, $0xF7A;
	s5 =	simm.s32 @!p2 $0x0  }
0x1d: {  	s5 =	simm.s32 @p1 $0x1;
	p0 =	seq.s32 s7, s2  }
0x1e: {  	s7 =	smul.u32 @!p0 $0xF7A, s2;
	p2 =	seq.s32 @!p0 s5, $0x0  }
0x1f: {  	s9 =	smul.u32 $0xF7A, s1;
	s8 =	simm.s32 @!p0 $0x1BF5;
	p2 =	por !p2, p0  }
0x20: {  	[sflag:s8] =	ssyncset.s32 @!p0 $0xFFFFF086;
	s6 =	sadd.s32 @!p0 s3, s7;
	s7 =	simm.s32 @!p0 $0x108  }
0x21: {  	s3 =	sadd.s32 s3, s9;
	s6 =	sadd.s32 @!p0 $0x88, s6;
	s7 =	simm.s32 @p2 $0x1082  }
0x22: {  	[simem:s7], [sflag:s8] =	dma.local @!p0 [hbm:s6], $0xF7A  }
0x23: {  	s9 =	sor.u32 $0xD0000000, s2;
	s6 =	simm.s32 $0x108;
	_ =	swait.ge @!p0 [sflag:s8], $0x0  }
0x24: {  	s3 =	sadd.s32 $0x88, s3;
	s6 =	simm.s32 @!p1 $0x1082;
	[sflag:s4] =	ssyncset.s32 $0xFFFFF086  }
0x25: {  	[simem:s6], [sflag:s4] =	dma.local [hbm:s3], $0xF7A  }
0x26: {  	[smem:$0x3F9F] =	sst s1;
	(tag) =	ssettag s2;
	_ =	strace s9  }
0x27: {  	s1 =	sld [smem:$0x3FAF]  }
0x28: {  	s2 =	sld [smem:$0x3FB0]  }
0x29: {  	s4 =	sld [smem:$0x3FB2]  }
0x2a: {  	p0 =	seq.s32 s5, $0x0;
	s5 =	sld [smem:$0x3FB3]  }
0x2b: {  	s6 =	sld [smem:$0x3FB4]  }
0x2c: {  	s7 =	sld [smem:$0x3FB5]  }
0x2d: {  	s3 =	simm.s32 $0x108;
	s8 =	sld [smem:$0x3FB6]  }
0x2e: {  	s3 =	simm.s32 @!p0 $0x1082;
	s9 =	sld [smem:$0x3FB7]  }
0x2f: {  	lr =	sadd.s32 s0, s3;
	s0 =	sld [smem:$0x3FAE]  }
0x30: {  	s3 =	sld [smem:$0x3FB1]  }
0x31: {  	[smem:$0x3FBA] =	sst s10  }
0x32: {  	s10 =	sld [smem:$0x3FB8];
	_ =	sdelay $0x3  }
0x33: {  	p0 =	seq.s32 s10, $0x1;
	s10 =	sld [smem:$0x3FBA];
	_ =	sdelay $0x3  }
0x34: {  	[smem:$0x3FBA] =	sst s10  }
0x35: {  	s10 =	sld [smem:$0x3FB9];
	_ =	sdelay $0x3  }
0x36: {  	p1 =	seq.s32 s10, $0x1;
	s10 =	sld [smem:$0x3FBA];
	_ =	sdelay $0x3  }
0x37: {  	[smem:$0x3FBA] =	sst s10  }
0x38: {  	s10 =	sld [smem:$0x3FBB]  }
0x39: {  	_ = 	snop;
	(pc) =	sbr.ind lr, $3  }
0x3a: {  	_ = 	snop  }
0x3b: {  	_ = 	snop  }
0x3c: {  	p2 =	seq.s32 s10, $0x1;
	s10 =	sld [smem:$0x3FBA]  }
0x3d: {  	_ =	shalt  }
0x3e: {  	_ =	shalt  }
0x3f: {  	_ =	shalt  }
0x40: {  	_ =	shalt  }
0x41: {  	_ =	shalt  }
0x42: {  	_ =	shalt  }
0x43: {  	_ =	shalt  }
0x44: {  	_ =	shalt  }
0x45: {  	_ =	shalt  }
0x46: {  	_ =	shalt  }
0x47: {  	_ =	shalt  }
0x48: {  	_ =	shalt  }
0x49: {  	_ =	shalt  }
0x4a: {  	_ =	shalt  }
0x4b: {  	_ =	shalt  }
0x4c: {  	_ =	shalt  }
0x4d: {  	_ =	shalt  }
0x4e: {  	_ =	shalt  }
0x4f: {  	_ =	shalt  }
0x50: {  	_ =	shalt  }
0x51: {  	_ =	shalt  }
0x52: {  	_ =	shalt  }
0x53: {  	_ =	shalt  }
0x54: {  	_ =	shalt  }
0x55: {  	_ =	shalt  }
0x56: {  	_ =	shalt  }
0x57: {  	_ =	shalt  }
0x58: {  	_ =	shalt  }
0x59: {  	_ =	shalt  }
0x5a: {  	_ =	shalt  }
0x5b: {  	_ =	shalt  }
0x5c: {  	_ =	shalt  }
0x5d: {  	_ =	shalt  }
0x5e: {  	_ =	shalt  }
0x5f: {  	_ =	shalt  }
0x60: {  	_ =	shalt  }
0x61: {  	_ =	shalt  }
0x62: {  	_ =	shalt  }
0x63: {  	_ =	shalt  }
0x64: {  	_ =	shalt  }
0x65: {  	_ =	shalt  }
0x66: {  	_ =	shalt  }
0x67: {  	_ =	shalt  }
0x68: {  	_ =	shalt  }
0x69: {  	_ =	shalt  }
0x6a: {  	_ =	shalt  }
0x6b: {  	_ =	shalt  }
0x6c: {  	_ =	shalt  }
0x6d: {  	_ =	shalt  }
0x6e: {  	_ =	shalt  }
0x6f: {  	_ =	shalt  }
0x70: {  	_ =	shalt  }
0x71: {  	_ =	shalt  }
0x72: {  	_ =	shalt  }
0x73: {  	_ =	shalt  }
0x74: {  	_ =	shalt  }
0x75: {  	_ =	shalt  }
0x76: {  	_ =	shalt  }
0x77: {  	_ =	shalt  }
0x78: {  	_ =	shalt  }
0x79: {  	_ =	shalt  }
0x7a: {  	_ =	shalt  }
0x7b: {  	_ =	shalt  }
0x7c: {  	_ =	shalt  }
0x7d: {  	_ =	shalt  }
0x7e: {  	_ =	shalt  }
0x7f: {  	_ =	shalt  }
0x80: {  	_ =	shalt  }
0x81: {  	_ =	shalt  }
0x82: {  	_ =	shalt  }
0x83: {  	_ =	shalt  }
0x84: {  	_ =	shalt  }
0x85: {  	_ =	shalt  }
0x86: {  	_ =	shalt  }
0x87: {  	_ =	shalt  }
.Lfunc_end0:
.L_simem_size_0:
called_computation_lowered:
.L_overlay_start_0:
0x88: {  	s2 =	sld [smem:$0x3FD9]  }
0x89: {  	s3 =	sld [smem:$0x3FFE];
	_ =	sdelay $0x1  }
0x8a: {  	s1 =	srdreg.scid  }
0x8b: {  	s0 =	sand.u32 $0x1, s1  }
0x8c: {  	s14 =	sshll.u32 s0, $0xA;
	s2 =	sadd.s32 s3, s2  }
0x8d: {  	s2 =	sadd.s32 s2, s14  }
0x8e: {  	[smem:$0x3FC6] =	sst s2  }
0x8f: {  	_ = 	snop  }
0x90: {  	s2 =	sld [smem:$0x3FD0];
	_ =	sdelay $0x2  }
0x91: {  	s15 =	simm.s32 $0xA;
	s4 =	simm.s32 $0x10  }
0x92: {  	[smem:s4], [sflag:s15] =	dma.local [hbm:s2], $0x1  }
0x93: {  	_ =	swait.eq [sflag:s15], $0x1  }
0x94: {  	[sflag:s15] =	ssyncset.done $0x0  }
0x95: {  	s16 =	sld [smem:$0x10];
	[sflag:s15] =	ssyncadd.s32 $0xFFFFFFFF  }
0x96: {  	s17 =	sld [smem:$0x11];
	(tm) =	ssettm $0x1  }
0x97: {  	s18 =	sld [smem:$0x3FFB];
	_ =	sdelay $0x3  }
0x98: {  	_ =	strace s18  }
0x99: {  	s4 =	sld [smem:$0x3FFC];
	_ =	sdelay $0x3  }
0x9a: {  	_ =	strace s4  }
0x9b: {  	s4 =	sld [smem:$0x3FFD];
	_ =	sdelay $0x3  }
0x9c: {  	_ =	strace s4  }
0x9d: {  	_ =	strace $0x8FFFFFFF  }
0x9e: {  	s19 =	sld [smem:$0x3FDB];
	_ =	sdelay $0x1  }
0x9f: {  	s5 =	simm.s32 $_scs_section_size  }
0xa0: {  	s6 =	simm.s32 $_size__tile_overlayer_lowered;
	s7 =	simm.s32 $_tile_overlayer_lowered  }
0xa1: {  	s22 =	simm.s32 $0x1BFF;
	s21 =	sshll.u32 s7, $0x1;
	s4 =	sadd.s32 s5, s19  }
0xa2: {  	s8 =	simm.s32 $0x0;
	s20 =	sshll.u32 s6, $0x1;
	s6 =	sadd.s32 s21, s4  }
0xa3: {  	[timem:s8], [sflag:s22] =	dma.local [hbm:s6], s20  }
0xa4: {  	_ =	swait.ge [sflag:s22], s20  }
0xa5: {  	s5 =	ssub.s32 $0x0, s20;
	[sflag:s22] =	ssyncset.done $0x0  }
0xa6: {  	[sflag:s22] =	ssyncadd.s32 s5;
	_ =	sdelay $0x1  }
0xa7: {  	s23 =	simm.s32 $0x1B8B  }
0xa8: {  	_ =	swait.ge [sflag:s23], $0x1  }
0xa9: {  	[sflag:s23] =	ssyncset.done $0x0  }
0xaa: {  	s25 =	simm.s32 $0x1B8E;
	s24 =	sld [smem:$0x3FFE];
	[sflag:s23] =	ssyncadd.s32 $0xFFFFFFFF  }
0xab: {  	s26 =	simm.s32 $execute0_lowered;
	[smem:$0x3FD2] =	sst s25  }
0xac: {  	s6 =	sshll.u32 s26, $0x1;
	_ =	strace $0x80000046;
	[dreg:$0x1] =	wrdreg $0xFFFFFFFF  }
0xad: {  	s28 =	simm.s32 $_size_execute0_lowered;
	s4 =	sadd.s32 s4, s6;
	[dreg:$0x0] =	wrdreg $0x0  }
0xae: {  	s6 =	sshll.u32 s28, $0x1;
	[dreg:$0x2] =	wrdreg s4  }
0xaf: {  	[dreg:$0x3] =	wrdreg s6  }
0xb0: {  	[dreg:$0x4] =	wrdreg $0xC0  }
0xb1: {  	_ =	task [dreg:s8], $0x5FFFF  }
0xb2: {  	[dreg:$0x1] =	wrdreg $0xFFFFFFFF  }
0xb3: {  	[dreg:$0x0] =	wrdreg $0x60  }
0xb4: {  	[dreg:$0x2] =	wrdreg s24  }
0xb5: {  	[dreg:$0x3] =	wrdreg s16  }
0xb6: {  	[dreg:$0x4] =	wrdreg s17  }
0xb7: {  	[dreg:$0x5] =	wrdreg $0x9  }
0xb8: {  	_ =	task.clear_ibuf [dreg:s8], $0x6FFFF;
	_ =	strace $0x90000046  }
0xb9: {  	s29 =	simm.s32 $0x9;
	_ =	strace $0x80000048  }
0xba: {  	_ =	swait.ge [sflag:s29], $0x1  }
0xbb: {  	[sflag:s29] =	ssyncadd.s32 $0xFFFFFFFF  }
0xbc: {  	_ =	strace $0x90000048  }
0xbd: {  	_ =	sfence  }
0xbe: {  	s30 =	sld [smem:$0x0];
	_ =	sdelay $0x2  }
0xbf: {  	s31 =	sshll.u32 s1, $0xD;
	s1 =	sshrl.u32 s1, $0x2  }
0xc0: {  	s3 =	sand.u32 $0x4000, s31;
	s1 =	sadd.s32 s1, s30  }
0xc1: {  	s0 =	sor.u32 s3, s0;
	s1 =	sshll.u32 s1, $0x11  }
0xc2: {  	s0 =	sor.u32 s1, s0  }
0xc3: {  	s0 =	sadd.s32 $0x8F2B, s0  }
0xc4: {  	[sflag:s0] =	ssyncadd.remote.s32 $0x1  }
0xc5: {  	_ =	sfence.sel $0xFFFF  }
0xc6: {  	[dreg:$0x0] =	wrdreg $0xFFFFFFFF;
	(pc) =	sbr.abs _section_cstart, $3  }
0xc7: {  	[dreg:$0x1] =	wrdreg $0xFFFFFFFF  }
0xc8: {  	_ =	task.clear_ibuf [dreg:s8], $0x2FFFF;
	_ =	strace $0x9FFFFFFF  }
0xc9: {  	(tm) =	ssettm $0x7FFFFFFF  }
tec
execute0_lowered:
.L_overlay_start_1:
0x0: {  	(tag) =	ssettag $0x1  }
0x1: {  	s0 =	rddreg [dreg:$0x0]  }
0x2: {  	s1 =	rddreg [dreg:$0x1]  }
0x3: {  	s5 =	rddreg [dreg:$0x2]  }
0x4: {  	s2 =	srdreg.scid;
	s4 =	stileid.u32;
	s8 =	simm.s32 $0x8000  }
0x5: {  	s10 =	simm.s32 $0x20000;
	s11 =	simm.s32 $0x10000;
	s12 =	simm.s32 $0x0  }
0x6: {  	s3 =	sand.u32 $0x1, s2;
	s4 =	sshll.u32 s4, $0x1;
	s2 =	simm.s32 $0x0  }
0x7: {  	s4 =	sor.u32 s3, s4;
	s3 =	ssub.s32 $0x2, s3;
	[smem:$0x7FF] =	sst s2  }
0x8: {  	s6 =	sshll.u32 s4, $0xC;
	s7 =	sshrl.u32 s3, $0x1;
	_ =	strace $0x80000047  }
0x9: {  	s30 =	sshll.u32 s4, $0x9;
	s31 =	sshll.u32 s4, $0x7;
	s0 =	sadd.s32 s6, s0  }
0xa: {  	s29 =	ssub.s32 s3, s7;
	s4 =	sadd.s32 s1, s30;
	s5 =	sadd.s32 s5, s31  }
0xb: {  	v0 =	vimm.f32 $0.0e+00;
	v1 =	vimm.s32 $0x0;
	v2 =	vlaneseq.u32;
	s7 =	simm.s32 $0x1;
	s3 =	sadd.s32 $0xC00, s0;
	s6 =	smax.u32 s29, $0x1  }
.LBB2_1:
0xc: {  	[tilespmem:s2], [sflag:$0x1] =	stream.linear.gather [hbm4b:s3+s2], $0x8000, $0x38;
	[tilespmem:$0x10400] =	vst v63  }
0xd: {  	_ =	swait.ge [sflag:s7], $0x8000  }
0xe: {  	[sflag:s7] =	ssyncset.done $0x0  }
0xf: {  	s13 =	simm.s32 $0x0;
	s14 =	simm.s32 $0x0;
	[sflag:s7] =	ssyncadd.s32 $0xFFFF8000  }
.LBB2_2:
0x10: {  	s15 =	sand.u32 $0x70, s13;
	s16 =	sand.u32 $0x7FFFFC00, s14  }
0x11: {  	s17 =	sor.u32 s15, s16  }
0x12: {  	s0 =	sand.u32 $0xFFFFFC00, s14;
	[tilespmem:s17+$0x8000] =	vst v0  }
0x13: {  	s18 =	sadd.s32 s0, s13;
	[tilespmem:s17+$0x8080] =	vst v0  }
0x14: {  	[tilespmem:s17+$0x8100] =	vst v0;
	s9 =	sor.u32 $0x180, s18  }
0x15: {  	[tilespmem:s9+$0x8000] =	vst v0  }
0x16: {  	[tilespmem:s17+$0x8200] =	vst v0  }
0x17: {  	[tilespmem:s17+$0x8280] =	vst v0  }
0x18: {  	s1 =	sor.u32 $0x380, s18;
	[tilespmem:s17+$0x8300] =	vst v0  }
0x19: {  	[tilespmem:s1+$0x8000] =	vst v0  }
0x1a: {  	[tilespmem:s17+$0x9000] =	vst v0  }
0x1b: {  	[tilespmem:s17+$0x9080] =	vst v0  }
0x1c: {  	s0 =	sor.u32 $0x1180, s18;
	[tilespmem:s17+$0x9100] =	vst v0  }
0x1d: {  	[tilespmem:s0+$0x8000] =	vst v0  }
0x1e: {  	[tilespmem:s17+$0x9200] =	vst v0  }
0x1f: {  	[tilespmem:s17+$0x9280] =	vst v0  }
0x20: {  	s31 =	sor.u32 $0x1380, s18;
	[tilespmem:s17+$0x9300] =	vst v0  }
0x21: {  	[tilespmem:s31+$0x8000] =	vst v0  }
0x22: {  	[tilespmem:s17+$0xA000] =	vst v0  }
0x23: {  	[tilespmem:s17+$0xA080] =	vst v0  }
0x24: {  	s30 =	sor.u32 $0x2180, s18;
	[tilespmem:s17+$0xA100] =	vst v0  }
0x25: {  	[tilespmem:s30+$0x8000] =	vst v0  }
0x26: {  	[tilespmem:s17+$0xA200] =	vst v0  }
0x27: {  	[tilespmem:s17+$0xA280] =	vst v0  }
0x28: {  	s29 =	sor.u32 $0x2380, s18;
	[tilespmem:s17+$0xA300] =	vst v0  }
0x29: {  	[tilespmem:s29+$0x8000] =	vst v0  }
0x2a: {  	[tilespmem:s17+$0xB000] =	vst v0  }
0x2b: {  	[tilespmem:s17+$0xB080] =	vst v0  }
0x2c: {  	s28 =	sor.u32 $0x3180, s18;
	[tilespmem:s17+$0xB100] =	vst v0  }
0x2d: {  	[tilespmem:s28+$0x8000] =	vst v0  }
0x2e: {  	[tilespmem:s17+$0xB200] =	vst v0  }
0x2f: {  	[tilespmem:s17+$0xB280] =	vst v0  }
0x30: {  	s26 =	sor.u32 $0x3380, s18;
	[tilespmem:s17+$0xB300] =	vst v0  }
0x31: {  	[tilespmem:s26+$0x8000] =	vst v0  }
0x32: {  	[tilespmem:s17+$0xC000] =	vst v0  }
0x33: {  	[tilespmem:s17+$0xC080] =	vst v0  }
0x34: {  	s25 =	sor.u32 $0x4180, s18;
	[tilespmem:s17+$0xC100] =	vst v0  }
0x35: {  	[tilespmem:s25+$0x8000] =	vst v0  }
0x36: {  	[tilespmem:s17+$0xC200] =	vst v0  }
0x37: {  	[tilespmem:s17+$0xC280] =	vst v0  }
0x38: {  	s24 =	sor.u32 $0x4380, s18;
	[tilespmem:s17+$0xC300] =	vst v0  }
0x39: {  	[tilespmem:s24+$0x8000] =	vst v0  }
0x3a: {  	[tilespmem:s17+$0xD000] =	vst v0  }
0x3b: {  	[tilespmem:s17+$0xD080] =	vst v0  }
0x3c: {  	s23 =	sor.u32 $0x5180, s18;
	[tilespmem:s17+$0xD100] =	vst v0  }
0x3d: {  	[tilespmem:s23+$0x8000] =	vst v0  }
0x3e: {  	[tilespmem:s17+$0xD200] =	vst v0  }
0x3f: {  	[tilespmem:s17+$0xD280] =	vst v0  }
0x40: {  	s22 =	sor.u32 $0x5380, s18;
	[tilespmem:s17+$0xD300] =	vst v0  }
0x41: {  	[tilespmem:s22+$0x8000] =	vst v0  }
0x42: {  	[tilespmem:s17+$0xE000] =	vst v0  }
0x43: {  	[tilespmem:s17+$0xE080] =	vst v0  }
0x44: {  	s21 =	sor.u32 $0x6180, s18;
	[tilespmem:s17+$0xE100] =	vst v0  }
0x45: {  	[tilespmem:s21+$0x8000] =	vst v0  }
0x46: {  	[tilespmem:s17+$0xE200] =	vst v0  }
0x47: {  	[tilespmem:s17+$0xE280] =	vst v0  }
0x48: {  	s20 =	sor.u32 $0x6380, s18;
	[tilespmem:s17+$0xE300] =	vst v0  }
0x49: {  	[tilespmem:s20+$0x8000] =	vst v0  }
0x4a: {  	[tilespmem:s17+$0xF000] =	vst v0  }
0x4b: {  	[tilespmem:s17+$0xF080] =	vst v0  }
0x4c: {  	s19 =	sor.u32 $0x7180, s18;
	[tilespmem:s17+$0xF100] =	vst v0  }
0x4d: {  	[tilespmem:s19+$0x8000] =	vst v0  }
0x4e: {  	[tilespmem:s17+$0xF200] =	vst v0  }
0x4f: {  	[tilespmem:s17+$0xF280] =	vst v0  }
0x50: {  	s18 =	sor.u32 $0x7380, s18;
	[tilespmem:s17+$0xF300] =	vst v0  }
0x51: {  	[tilespmem:s18+$0x8000] =	vst v0  }
0x52: {  	v3 =	vld [tilespmem:s17+$0x0]  }
0x53: {  	v4 =	vld [tilespmem:s17+$0x80];
	_ =	sdelay $0x3  }
0x54: {  	v5 =	vld [tilespmem:s17+$0x100]  }
0x55: {  	vm0 =	vgt.f32 v4, v3  }
0x56: {  	vm2 =	vlt.f32 v4, $-Inf;
	vm3 =	vgt.f32 v4, $-Inf;
	vm1 =	vmneg vm0  }
0x57: {  	v6 =	vld [tilespmem:s9+$0x0];
	vm2 =	vmor vm3, vm2;
	v7 =	vsel vm1, v4, v3  }
0x58: {  	v3 =	vsel vm1, v3, v4;
	v7 =	vnsel vm2, $0xFF800000, v7;
	vm2 =	vmand vm2, vm1  }
0x59: {  	v9 =	vld [tilespmem:s17+$0x200];
	v8 =	vsel vm0, $0x1, v1;
	vm12 =	vgt.f32 v5, v3;
	v58 =	vsel vm2, $0x1, v1  }
0x5a: {  	vm13 =	vgt.f32 v5, v7;
	v10 =	vsel vm12, v3, v5;
	v11 =	vnsel vm12, $0x2, v8  }
0x5b: {  	v3 =	vsel vm12, v5, v3;
	v59 =	vsel vm12, $0x2, v8;
	v7 =	vsel vm13, v10, v7  }
0x5c: {  	v60 =	vld [tilespmem:s17+$0x280];
	v4 =	vsel vm13, v11, v58;
	vm14 =	vgt.f32 v6, v3;
	vm15 =	vgt.f32 v6, v7  }
0x5d: {  	v61 =	vsel vm14, v3, v6;
	v62 =	vnsel vm14, $0x3, v59;
	v3 =	vsel vm14, v6, v3  }
0x5e: {  	v5 =	vsel vm14, $0x3, v59;
	v63 =	vsel vm15, v61, v7;
	vm4 =	vgt.f32 v9, v3  }
0x5f: {  	v13 =	vld [tilespmem:s17+$0x300];
	v4 =	vsel vm15, v62, v4;
	vm5 =	vgt.f32 v9, v63;
	v12 =	vsel vm4, v3, v9  }
0x60: {  	v14 =	vnsel vm4, $0x4, v5;
	v3 =	vsel vm4, v9, v3;
	v5 =	vsel vm4, $0x4, v5  }
0x61: {  	v15 =	vld [tilespmem:s1+$0x0];
	v6 =	vsel vm5, v12, v63;
	v4 =	vsel vm5, v14, v4;
	vm6 =	vgt.f32 v60, v3  }
0x62: {  	vm7 =	vgt.f32 v60, v6;
	v9 =	vsel vm6, v3, v60;
	v16 =	vnsel vm6, $0x5, v5  }
0x63: {  	s9 =	sor.u32 $0x1000, s17;
	v3 =	vsel vm6, v60, v3;
	v5 =	vsel vm6, $0x5, v5;
	v6 =	vsel vm7, v9, v6  }
0x64: {  	v17 =	vld [tilespmem:s9+$0x0];
	v4 =	vsel vm7, v16, v4;
	vm8 =	vgt.f32 v13, v3;
	vm9 =	vgt.f32 v13, v6  }
0x65: {  	v18 =	vsel vm8, v3, v13;
	v19 =	vnsel vm8, $0x6, v5;
	v3 =	vsel vm8, v13, v3  }
0x66: {  	s9 =	sor.u32 $0x1080, s17;
	v5 =	vsel vm8, $0x6, v5;
	v6 =	vsel vm9, v18, v6;
	vm10 =	vgt.f32 v15, v3  }
0x67: {  	v21 =	vld [tilespmem:s9+$0x0];
	v4 =	vsel vm9, v19, v4;
	vm11 =	vgt.f32 v15, v6;
	v20 =	vsel vm10, v3, v15  }
0x68: {  	s9 =	sor.u32 $0x1100, s17;
	v22 =	vnsel vm10, $0x7, v5;
	v3 =	vsel vm10, v15, v3;
	v5 =	vsel vm10, $0x7, v5  }
0x69: {  	v23 =	vld [tilespmem:s9+$0x0];
	v6 =	vsel vm11, v20, v6;
	v4 =	vsel vm11, v22, v4;
	vm12 =	vgt.f32 v17, v3  }
0x6a: {  	vm13 =	vgt.f32 v17, v6;
	v24 =	vsel vm12, v3, v17;
	v25 =	vnsel vm12, $0x8, v5  }
0x6b: {  	v3 =	vsel vm12, v17, v3;
	v5 =	vsel vm12, $0x8, v5;
	v6 =	vsel vm13, v24, v6  }
0x6c: {  	v26 =	vld [tilespmem:s0+$0x0];
	v4 =	vsel vm13, v25, v4;
	vm14 =	vgt.f32 v21, v3;
	vm15 =	vgt.f32 v21, v6  }
0x6d: {  	v27 =	vsel vm14, v3, v21;
	v28 =	vnsel vm14, $0x9, v5;
	v3 =	vsel vm14, v21, v3  }
0x6e: {  	s9 =	sor.u32 $0x1200, s17;
	v5 =	vsel vm14, $0x9, v5;
	v6 =	vsel vm15, v27, v6;
	vm4 =	vgt.f32 v23, v3  }
0x6f: {  	v30 =	vld [tilespmem:s9+$0x0];
	v4 =	vsel vm15, v28, v4;
	vm5 =	vgt.f32 v23, v6;
	v29 =	vsel vm4, v3, v23  }
0x70: {  	s1 =	sor.u32 $0x1280, s17;
	v31 =	vnsel vm4, $0xA, v5;
	v3 =	vsel vm4, v23, v3;
	v5 =	vsel vm4, $0xA, v5  }
0x71: {  	v32 =	vld [tilespmem:s1+$0x0];
	v6 =	vsel vm5, v29, v6;
	v4 =	vsel vm5, v31, v4;
	vm6 =	vgt.f32 v26, v3  }
0x72: {  	vm7 =	vgt.f32 v26, v6;
	v33 =	vsel vm6, v3, v26;
	v34 =	vnsel vm6, $0xB, v5  }
0x73: {  	s9 =	sor.u32 $0x1300, s17;
	v3 =	vsel vm6, v26, v3;
	v5 =	vsel vm6, $0xB, v5;
	v6 =	vsel vm7, v33, v6  }
0x74: {  	v35 =	vld [tilespmem:s9+$0x0];
	v4 =	vsel vm7, v34, v4;
	vm8 =	vgt.f32 v30, v3;
	vm9 =	vgt.f32 v30, v6  }
0x75: {  	v36 =	vsel vm8, v3, v30;
	v37 =	vnsel vm8, $0xC, v5;
	v3 =	vsel vm8, v30, v3  }
0x76: {  	v5 =	vsel vm8, $0xC, v5;
	v6 =	vsel vm9, v36, v6;
	vm10 =	vgt.f32 v32, v3  }
0x77: {  	v39 =	vld [tilespmem:s31+$0x0];
	v4 =	vsel vm9, v37, v4;
	vm11 =	vgt.f32 v32, v6;
	v38 =	vsel vm10, v3, v32  }
0x78: {  	s31 =	sor.u32 $0x2000, s17;
	v40 =	vnsel vm10, $0xD, v5;
	v3 =	vsel vm10, v32, v3;
	v5 =	vsel vm10, $0xD, v5  }
0x79: {  	v41 =	vld [tilespmem:s31+$0x0];
	v6 =	vsel vm11, v38, v6;
	v4 =	vsel vm11, v40, v4;
	vm12 =	vgt.f32 v35, v3  }
0x7a: {  	vm13 =	vgt.f32 v35, v6;
	v42 =	vsel vm12, v3, v35;
	v43 =	vnsel vm12, $0xE, v5  }
0x7b: {  	s1 =	sor.u32 $0x2080, s17;
	v3 =	vsel vm12, v35, v3;
	v5 =	vsel vm12, $0xE, v5;
	v6 =	vsel vm13, v42, v6  }
0x7c: {  	v44 =	vld [tilespmem:s1+$0x0];
	v4 =	vsel vm13, v43, v4;
	vm14 =	vgt.f32 v39, v3;
	vm15 =	vgt.f32 v39, v6  }
0x7d: {  	v45 =	vsel vm14, v3, v39;
	v46 =	vnsel vm14, $0xF, v5;
	v3 =	vsel vm14, v39, v3  }
0x7e: {  	s9 =	sor.u32 $0x2100, s17;
	v5 =	vsel vm14, $0xF, v5;
	v6 =	vsel vm15, v45, v6;
	vm4 =	vgt.f32 v41, v3  }
0x7f: {  	v47 =	vld [tilespmem:s9+$0x0];
	v4 =	vsel vm15, v46, v4;
	vm5 =	vgt.f32 v41, v6;
	v10 =	vsel vm4, v3, v41  }
0x80: {  	v48 =	vnsel vm4, $0x10, v5;
	v3 =	vsel vm4, v41, v3;
	v5 =	vsel vm4, $0x10, v5  }
0x81: {  	v49 =	vld [tilespmem:s30+$0x0];
	v6 =	vsel vm5, v10, v6;
	v4 =	vsel vm5, v48, v4;
	vm6 =	vgt.f32 v44, v3  }
0x82: {  	vm7 =	vgt.f32 v44, v6;
	v50 =	vsel vm6, v3, v44;
	v51 =	vnsel vm6, $0x11, v5  }
0x83: {  	s30 =	sor.u32 $0x2200, s17;
	v3 =	vsel vm6, v44, v3;
	v5 =	vsel vm6, $0x11, v5;
	v6 =	vsel vm7, v50, v6  }
0x84: {  	v52 =	vld [tilespmem:s30+$0x0];
	v4 =	vsel vm7, v51, v4;
	vm8 =	vgt.f32 v47, v3;
	vm9 =	vgt.f32 v47, v6  }
0x85: {  	v53 =	vsel vm8, v3, v47;
	v54 =	vnsel vm8, $0x12, v5;
	v3 =	vsel vm8, v47, v3  }
0x86: {  	s31 =	sor.u32 $0x2280, s17;
	v5 =	vsel vm8, $0x12, v5;
	v6 =	vsel vm9, v53, v6;
	vm10 =	vgt.f32 v49, v3  }
0x87: {  	v55 =	vld [tilespmem:s31+$0x0];
	v4 =	vsel vm9, v54, v4;
	vm11 =	vgt.f32 v49, v6;
	v9 =	vsel vm10, v3, v49  }
0x88: {  	s1 =	sor.u32 $0x2300, s17;
	v56 =	vnsel vm10, $0x13, v5;
	v3 =	vsel vm10, v49, v3;
	v5 =	vsel vm10, $0x13, v5  }
0x89: {  	v57 =	vld [tilespmem:s1+$0x0];
	v6 =	vsel vm11, v9, v6;
	v4 =	vsel vm11, v56, v4;
	vm12 =	vgt.f32 v52, v3  }
0x8a: {  	vm13 =	vgt.f32 v52, v6;
	v58 =	vsel vm12, v3, v52;
	v59 =	vnsel vm12, $0x14, v5  }
0x8b: {  	v3 =	vsel vm12, v52, v3;
	v5 =	vsel vm12, $0x14, v5;
	v6 =	vsel vm13, v58, v6  }
0x8c: {  	v60 =	vld [tilespmem:s29+$0x0];
	v4 =	vsel vm13, v59, v4;
	vm14 =	vgt.f32 v55, v3;
	vm15 =	vgt.f32 v55, v6  }
0x8d: {  	v61 =	vsel vm14, v3, v55;
	v62 =	vnsel vm14, $0x15, v5;
	v3 =	vsel vm14, v55, v3  }
0x8e: {  	s9 =	sor.u32 $0x3000, s17;
	v5 =	vsel vm14, $0x15, v5;
	v6 =	vsel vm15, v61, v6;
	vm4 =	vgt.f32 v57, v3  }
0x8f: {  	v12 =	vld [tilespmem:s9+$0x0];
	v4 =	vsel vm15, v62, v4;
	vm5 =	vgt.f32 v57, v6;
	v63 =	vsel vm4, v3, v57  }
0x90: {  	s29 =	sor.u32 $0x3080, s17;
	v13 =	vnsel vm4, $0x16, v5;
	v3 =	vsel vm4, v57, v3;
	v5 =	vsel vm4, $0x16, v5  }
0x91: {  	v14 =	vld [tilespmem:s29+$0x0];
	v6 =	vsel vm5, v63, v6;
	v4 =	vsel vm5, v13, v4;
	vm6 =	vgt.f32 v60, v3  }
0x92: {  	vm7 =	vgt.f32 v60, v6;
	v15 =	vsel vm6, v3, v60;
	v16 =	vnsel vm6, $0x17, v5  }
0x93: {  	s30 =	sor.u32 $0x3100, s17;
	v3 =	vsel vm6, v60, v3;
	v5 =	vsel vm6, $0x17, v5;
	v6 =	vsel vm7, v15, v6  }
0x94: {  	v17 =	vld [tilespmem:s30+$0x0];
	v4 =	vsel vm7, v16, v4;
	vm8 =	vgt.f32 v12, v3;
	vm9 =	vgt.f32 v12, v6  }
0x95: {  	v18 =	vsel vm8, v3, v12;
	v19 =	vnsel vm8, $0x18, v5;
	v3 =	vsel vm8, v12, v3  }
0x96: {  	v5 =	vsel vm8, $0x18, v5;
	v6 =	vsel vm9, v18, v6;
	vm10 =	vgt.f32 v14, v3  }
0x97: {  	v21 =	vld [tilespmem:s28+$0x0];
	v4 =	vsel vm9, v19, v4;
	vm11 =	vgt.f32 v14, v6;
	v20 =	vsel vm10, v3, v14  }
0x98: {  	s31 =	sor.u32 $0x3200, s17;
	v22 =	vnsel vm10, $0x19, v5;
	v3 =	vsel vm10, v14, v3;
	v5 =	vsel vm10, $0x19, v5  }
0x99: {  	v23 =	vld [tilespmem:s31+$0x0];
	v6 =	vsel vm11, v20, v6;
	v4 =	vsel vm11, v22, v4;
	vm12 =	vgt.f32 v17, v3  }
0x9a: {  	vm13 =	vgt.f32 v17, v6;
	v24 =	vsel vm12, v3, v17;
	v25 =	vnsel vm12, $0x1A, v5  }
0x9b: {  	s1 =	sor.u32 $0x3280, s17;
	v3 =	vsel vm12, v17, v3;
	v5 =	vsel vm12, $0x1A, v5;
	v6 =	vsel vm13, v24, v6  }
0x9c: {  	v26 =	vld [tilespmem:s1+$0x0];
	v4 =	vsel vm13, v25, v4;
	vm14 =	vgt.f32 v21, v3;
	vm15 =	vgt.f32 v21, v6  }
0x9d: {  	v27 =	vsel vm14, v3, v21;
	v28 =	vnsel vm14, $0x1B, v5;
	v3 =	vsel vm14, v21, v3  }
0x9e: {  	s9 =	sor.u32 $0x3300, s17;
	v5 =	vsel vm14, $0x1B, v5;
	v6 =	vsel vm15, v27, v6;
	vm4 =	vgt.f32 v23, v3  }
0x9f: {  	v29 =	vld [tilespmem:s9+$0x0];
	v4 =	vsel vm15, v28, v4;
	vm5 =	vgt.f32 v23, v6;
	v10 =	vsel vm4, v3, v23  }
0xa0: {  	v30 =	vnsel vm4, $0x1C, v5;
	v3 =	vsel vm4, v23, v3;
	v5 =	vsel vm4, $0x1C, v5  }
0xa1: {  	v6 =	vsel vm5, v10, v6;
	v4 =	vsel vm5, v30, v4;
	vm6 =	vgt.f32 v26, v3  }
0xa2: {  	v31 =	vld [tilespmem:s26+$0x0];
	vm7 =	vgt.f32 v26, v6;
	v32 =	vsel vm6, v3, v26;
	v33 =	vnsel vm6, $0x1D, v5  }
0xa3: {  	v3 =	vsel vm6, v26, v3;
	v5 =	vsel vm6, $0x1D, v5;
	v6 =	vsel vm7, v32, v6  }
0xa4: {  	s28 =	sor.u32 $0x4000, s17;
	v4 =	vsel vm7, v33, v4;
	vm8 =	vgt.f32 v29, v3;
	v33 =	vimm.s32 $0x0  }
0xa5: {  	v34 =	vld [tilespmem:s28+$0x0];
	vm9 =	vgt.f32 v29, v6;
	v35 =	vsel vm8, v3, v29;
	v36 =	vnsel vm8, $0x1E, v5  }
0xa6: {  	s29 =	sor.u32 $0x4080, s17;
	v3 =	vsel vm8, v29, v3;
	v5 =	vsel vm8, $0x1E, v5;
	v6 =	vsel vm9, v35, v6  }
0xa7: {  	v37 =	vld [tilespmem:s29+$0x0];
	v4 =	vsel vm9, v36, v4;
	vm10 =	vgt.f32 v31, v3;
	v36 =	vimm.s32 $0x0  }
0xa8: {  	vm11 =	vgt.f32 v31, v6;
	v9 =	vsel vm10, v3, v31;
	v38 =	vnsel vm10, $0x1F, v5  }
0xa9: {  	v3 =	vsel vm10, v31, v3;
	v5 =	vsel vm10, $0x1F, v5;
	v6 =	vsel vm11, v9, v6  }
0xaa: {  	s30 =	sor.u32 $0x4100, s17;
	v4 =	vsel vm11, v38, v4;
	vm12 =	vgt.f32 v34, v3;
	vm13 =	vgt.f32 v34, v6  }
0xab: {  	v39 =	vld [tilespmem:s30+$0x0];
	v40 =	vsel vm12, v3, v34;
	v41 =	vnsel vm12, $0x20, v5;
	v3 =	vsel vm12, v34, v3  }
0xac: {  	v5 =	vsel vm12, $0x20, v5;
	v6 =	vsel vm13, v40, v6;
	vm14 =	vgt.f32 v37, v3  }
0xad: {  	v42 =	vld [tilespmem:s25+$0x0];
	v4 =	vsel vm13, v41, v4;
	vm15 =	vgt.f32 v37, v6;
	v43 =	vsel vm14, v3, v37  }
0xae: {  	v44 =	vnsel vm14, $0x21, v5;
	v3 =	vsel vm14, v37, v3;
	v5 =	vsel vm14, $0x21, v5  }
0xaf: {  	s31 =	sor.u32 $0x4200, s17;
	v37 =	vimm.s32 $0x0;
	v6 =	vsel vm15, v43, v6;
	v4 =	vsel vm15, v44, v4  }
0xb0: {  	v46 =	vld [tilespmem:s31+$0x0];
	vm4 =	vgt.f32 v39, v3;
	v43 =	vimm.s32 $0x0;
	vm5 =	vgt.f32 v39, v6  }
0xb1: {  	v45 =	vsel vm4, v3, v39;
	v47 =	vnsel vm4, $0x22, v5;
	v3 =	vsel vm4, v39, v3  }
0xb2: {  	s1 =	sor.u32 $0x4280, s17;
	v5 =	vsel vm4, $0x22, v5;
	v6 =	vsel vm5, v45, v6;
	vm6 =	vgt.f32 v42, v3  }
0xb3: {  	v48 =	vld [tilespmem:s1+$0x0];
	v4 =	vsel vm5, v47, v4;
	vm7 =	vgt.f32 v42, v6;
	v49 =	vsel vm6, v3, v42  }
0xb4: {  	v50 =	vnsel vm6, $0x23, v5;
	v3 =	vsel vm6, v42, v3;
	v5 =	vsel vm6, $0x23, v5  }
0xb5: {  	s9 =	sor.u32 $0x4300, s17;
	v6 =	vsel vm7, v49, v6;
	v4 =	vsel vm7, v50, v4;
	vm8 =	vgt.f32 v46, v3  }
0xb6: {  	v51 =	vld [tilespmem:s9+$0x0];
	vm9 =	vgt.f32 v46, v6;
	v52 =	vsel vm8, v3, v46;
	v53 =	vnsel vm8, $0x24, v5  }
0xb7: {  	v3 =	vsel vm8, v46, v3;
	v5 =	vsel vm8, $0x24, v5;
	v46 =	vimm.s32 $0x0  }
0xb8: {  	v6 =	vsel vm9, v52, v6;
	v4 =	vsel vm9, v53, v4;
	vm10 =	vgt.f32 v48, v3  }
0xb9: {  	v55 =	vld [tilespmem:s24+$0x0];
	v52 =	vimm.s32 $0x0;
	vm11 =	vgt.f32 v48, v6;
	v54 =	vsel vm10, v3, v48  }
0xba: {  	v56 =	vnsel vm10, $0x25, v5;
	v3 =	vsel vm10, v48, v3;
	v5 =	vsel vm10, $0x25, v5  }
0xbb: {  	s24 =	sor.u32 $0x5000, s17;
	v6 =	vsel vm11, v54, v6;
	v4 =	vsel vm11, v56, v4;
	vm12 =	vgt.f32 v51, v3  }
0xbc: {  	v57 =	vld [tilespmem:s24+$0x0];
	vm13 =	vgt.f32 v51, v6;
	v58 =	vsel vm12, v3, v51;
	v59 =	vnsel vm12, $0x26, v5  }
0xbd: {  	v3 =	vsel vm12, v51, v3;
	v5 =	vsel vm12, $0x26, v5;
	v6 =	vsel vm13, v58, v6  }
0xbe: {  	s25 =	sor.u32 $0x5080, s17;
	v4 =	vsel vm13, v59, v4;
	vm14 =	vgt.f32 v55, v3;
	v58 =	vimm.s32 $0x0  }
0xbf: {  	v60 =	vld [tilespmem:s25+$0x0];
	vm15 =	vgt.f32 v55, v6;
	v61 =	vsel vm14, v3, v55;
	v62 =	vnsel vm14, $0x27, v5  }
0xc0: {  	v3 =	vsel vm14, v55, v3;
	v5 =	vsel vm14, $0x27, v5;
	v55 =	vimm.s32 $0x0  }
0xc1: {  	s26 =	sor.u32 $0x5100, s17;
	v6 =	vsel vm15, v61, v6;
	v4 =	vsel vm15, v62, v4;
	vm4 =	vgt.f32 v57, v3  }
0xc2: {  	v63 =	vld [tilespmem:s26+$0x0];
	v62 =	vimm.s32 $0x0;
	vm5 =	vgt.f32 v57, v6;
	v10 =	vsel vm4, v3, v57  }
0xc3: {  	v12 =	vnsel vm4, $0x28, v5;
	v3 =	vsel vm4, v57, v3;
	v5 =	vsel vm4, $0x28, v5  }
0xc4: {  	v6 =	vsel vm5, v10, v6;
	v4 =	vsel vm5, v12, v4;
	vm6 =	vgt.f32 v60, v3  }
0xc5: {  	v13 =	vld [tilespmem:s23+$0x0];
	v12 =	vimm.s32 $0x0;
	vm7 =	vgt.f32 v60, v6;
	v14 =	vsel vm6, v3, v60  }
0xc6: {  	v15 =	vnsel vm6, $0x29, v5;
	v3 =	vsel vm6, v60, v3;
	v5 =	vsel vm6, $0x29, v5  }
0xc7: {  	s28 =	sor.u32 $0x5200, s17;
	v6 =	vsel vm7, v14, v6;
	v4 =	vsel vm7, v15, v4;
	vm8 =	vgt.f32 v63, v3  }
0xc8: {  	v16 =	vld [tilespmem:s28+$0x0];
	v15 =	vimm.s32 $0x0;
	vm9 =	vgt.f32 v63, v6;
	v17 =	vsel vm8, v3, v63  }
0xc9: {  	v18 =	vnsel vm8, $0x2A, v5;
	v3 =	vsel vm8, v63, v3;
	v5 =	vsel vm8, $0x2A, v5  }
0xca: {  	s29 =	sor.u32 $0x5280, s17;
	v6 =	vsel vm9, v17, v6;
	v4 =	vsel vm9, v18, v4;
	vm5 =	vgt.f32 v13, v3  }
0xcb: {  	v19 =	vld [tilespmem:s29+$0x0];
	v18 =	vimm.s32 $0x0;
	vm10 =	vgt.f32 v13, v6;
	v21 =	vsel vm5, v3, v13  }
0xcc: {  	s30 =	sor.u32 $0x5300, s17;
	v3 =	vsel vm5, v13, v3;
	v23 =	vnsel vm5, $0x2B, v5;
	v5 =	vsel vm5, $0x2B, v5  }
0xcd: {  	v20 =	vld [tilespmem:s30+$0x0];
	v6 =	vsel vm10, v21, v6;
	vm3 =	vgt.f32 v16, v3;
	v4 =	vsel vm10, v23, v4  }
0xce: {  	vm4 =	vgt.f32 v16, v6;
	v7 =	vsel vm3, v3, v16;
	v3 =	vsel vm3, v16, v3  }
0xcf: {  	v30 =	vnsel vm3, $0x2C, v5;
	v5 =	vsel vm3, $0x2C, v5;
	v6 =	vsel vm4, v7, v6  }
0xd0: {  	v22 =	vld [tilespmem:s22+$0x0];
	vm6 =	vgt.f32 v19, v3;
	v4 =	vsel vm4, v30, v4;
	vm2 =	vgt.f32 v19, v6  }
0xd1: {  	v24 =	vsel vm6, v3, v19;
	v3 =	vsel vm6, v19, v3;
	v40 =	vnsel vm6, $0x2D, v5  }
0xd2: {  	s31 =	sor.u32 $0x6000, s17;
	v5 =	vsel vm6, $0x2D, v5;
	v6 =	vsel vm2, v24, v6;
	vm0 =	vgt.f32 v20, v3  }
0xd3: {  	v25 =	vld [tilespmem:s31+$0x0];
	v4 =	vsel vm2, v40, v4;
	v24 =	vimm.s32 $0x0;
	vm1 =	vgt.f32 v20, v6  }
0xd4: {  	v26 =	vsel vm0, v3, v20;
	v3 =	vsel vm0, v20, v3;
	v49 =	vnsel vm0, $0x2E, v5  }
0xd5: {  	s1 =	sor.u32 $0x6080, s17;
	v5 =	vsel vm0, $0x2E, v5;
	v6 =	vsel vm1, v26, v6;
	vm12 =	vgt.f32 v22, v3  }
0xd6: {  	v27 =	vld [tilespmem:s1+$0x0];
	v4 =	vsel vm1, v49, v4;
	vm9 =	vgt.f32 v22, v6;
	v29 =	vsel vm12, v3, v22  }
0xd7: {  	s9 =	sor.u32 $0x6100, s17;
	v3 =	vsel vm12, v22, v3;
	v59 =	vnsel vm12, $0x2F, v5;
	v5 =	vsel vm12, $0x2F, v5  }
0xd8: {  	v28 =	vld [tilespmem:s9+$0x0];
	v22 =	vimm.s32 $0x0;
	v6 =	vsel vm9, v29, v6;
	vm8 =	vgt.f32 v25, v3  }
0xd9: {  	v4 =	vsel vm9, v59, v4;
	vm14 =	vgt.f32 v25, v6;
	v31 =	vsel vm8, v3, v25  }
0xda: {  	v3 =	vsel vm8, v25, v3;
	v19 =	vnsel vm8, $0x30, v5;
	v5 =	vsel vm8, $0x30, v5  }
0xdb: {  	v32 =	vld [tilespmem:s21+$0x0];
	v6 =	vsel vm14, v31, v6;
	vm5 =	vgt.f32 v27, v3;
	v4 =	vsel vm14, v19, v4  }
0xdc: {  	s21 =	sor.u32 $0x6200, s17;
	vm7 =	vgt.f32 v27, v6;
	v34 =	vsel vm5, v3, v27;
	v3 =	vsel vm5, v27, v3  }
0xdd: {  	v35 =	vld [tilespmem:s21+$0x0];
	v26 =	vnsel vm5, $0x31, v5;
	v8 =	vsel vm7, $0xFFFFFFFF, v33;
	vm11 =	vgt.f32 v28, v3  }
0xde: {  	s22 =	sor.u32 $0x6280, s17;
	v5 =	vsel vm5, $0x31, v5;
	v6 =	vsel vm7, v34, v6;
	[tilespmem:$0x1FF20] =	vst v8;
	v8 =	vsel vm11, $0xFFFFFFFF, v36  }
0xdf: {  	v39 =	vld [tilespmem:s22+$0x0];
	vm13 =	vgt.f32 v28, v6;
	v38 =	vsel vm11, v3, v28;
	v3 =	vsel vm11, v28, v3  }
0xe0: {  	s23 =	sor.u32 $0x6300, s17;
	[tilespmem:$0x1FF30] =	vst v8;
	v8 =	vsel vm13, $0xFFFFFFFF, v37;
	v6 =	vsel vm13, v38, v6;
	vm10 =	vgt.f32 v32, v3  }
0xe1: {  	v41 =	vld [tilespmem:s23+$0x0];
	vm3 =	vgt.f32 v32, v6;
	v42 =	vsel vm10, v3, v32;
	v3 =	vsel vm10, v32, v3  }
0xe2: {  	v45 =	vld [tilespmem:s20+$0x0];
	v12 =	vsel vm3, $0xFFFFFFFF, v12;
	v6 =	vsel vm3, v42, v6;
	vm7 =	vgt.f32 v35, v3  }
0xe3: {  	v29 =	vld [tilespmem:$0x1FF30];
	vm15 =	vgt.f32 v35, v6;
	v44 =	vsel vm7, v3, v35;
	v3 =	vsel vm7, v35, v3  }
0xe4: {  	s24 =	sor.u32 $0x7000, s17;
	v9 =	vsel vm15, $0xFFFFFFFF, v43;
	v6 =	vsel vm15, v44, v6;
	vm11 =	vgt.f32 v39, v3  }
0xe5: {  	v48 =	vld [tilespmem:s24+$0x0];
	vm2 =	vgt.f32 v39, v6;
	v47 =	vsel vm11, v3, v39;
	v3 =	vsel vm11, v39, v3  }
0xe6: {  	s25 =	sor.u32 $0x7080, s17;
	[tilespmem:$0x1FF60] =	vst v9;
	v9 =	vsel vm2, $0xFFFFFFFF, v46;
	v6 =	vsel vm2, v47, v6;
	vm13 =	vgt.f32 v41, v3  }
0xe7: {  	v51 =	vld [tilespmem:s25+$0x0];
	v50 =	vsel vm13, v3, v41;
	v3 =	vsel vm13, v41, v3;
	vm2 =	vgt.f32 v41, v6  }
0xe8: {  	v27 =	vld [tilespmem:$0x1FF20];
	vm5 =	vnez.u8 v29;
	v6 =	vsel vm2, v50, v6;
	vm15 =	vgt.f32 v45, v3  }
0xe9: {  	s26 =	sor.u32 $0x7100, s17;
	v54 =	vsel vm15, v3, v45;
	v3 =	vsel vm15, v45, v3;
	vm4 =	vgt.f32 v45, v6  }
0xea: {  	v53 =	vld [tilespmem:s26+$0x0];
	v10 =	vsel vm4, $0xFFFFFFFF, v55;
	v6 =	vsel vm4, v54, v6;
	vm4 =	vgt.f32 v48, v3  }
0xeb: {  	v56 =	vsel vm4, v3, v48;
	v3 =	vsel vm4, v48, v3;
	vm6 =	vgt.f32 v48, v6  }
0xec: {  	v57 =	vld [tilespmem:s19+$0x0];
	[tilespmem:$0x1FF40] =	vst v8;
	v8 =	vsel vm2, $0xFFFFFFFF, v52;
	v7 =	vsel vm6, $0xFFFFFFFF, v58;
	vm3 =	vgt.f32 v51, v3  }
0xed: {  	s28 =	sor.u32 $0x7200, s17;
	v6 =	vsel vm6, v56, v6;
	vm6 =	vnez.u8 v27;
	v60 =	vsel vm3, v3, v51  }
0xee: {  	v61 =	vld [tilespmem:s28+$0x0];
	v3 =	vsel vm3, v51, v3;
	vm0 =	vgt.f32 v51, v6;
	v4 =	vsel vm6, v26, v4  }
0xef: {  	s29 =	sor.u32 $0x7280, s17;
	[tilespmem:$0x1FF50] =	vst v12;
	v12 =	vsel vm0, $0xFFFFFFFF, v62;
	v6 =	vsel vm0, v60, v6;
	vm9 =	vgt.f32 v53, v3  }
0xf0: {  	v63 =	vld [tilespmem:s29+$0x0];
	v14 =	vsel vm9, v3, v53;
	v3 =	vsel vm9, v53, v3;
	vm0 =	vgt.f32 v53, v6  }
0xf1: {  	s30 =	sor.u32 $0x7300, s17;
	[tilespmem:$0x1FF80] =	vst v8;
	v8 =	vsel vm0, $0xFFFFFFFF, v15;
	v6 =	vsel vm0, v14, v6;
	vm12 =	vgt.f32 v57, v3  }
0xf2: {  	v16 =	vld [tilespmem:s30+$0x0];
	v17 =	vsel vm12, v3, v57;
	v3 =	vsel vm12, v57, v3;
	vm0 =	vgt.f32 v57, v6  }
0xf3: {  	[tilespmem:$0x1FF90] =	vst v10;
	v10 =	vsel vm0, $0xFFFFFFFF, v18;
	v6 =	vsel vm0, v17, v6;
	vm2 =	vgt.f32 v61, v3  }
0xf4: {  	v20 =	vld [tilespmem:s18+$0x0];
	v21 =	vsel vm2, v3, v61;
	v3 =	vsel vm2, v61, v3;
	vm0 =	vgt.f32 v61, v6  }
0xf5: {  	v11 =	vsel vm0, $0xFFFFFFFF, v22;
	v6 =	vsel vm0, v21, v6;
	vm1 =	vgt.f32 v63, v3  }
0xf6: {  	v30 =	vld [tilespmem:$0x1FF40];
	v23 =	vsel vm1, v3, v63;
	v3 =	vsel vm1, v63, v3;
	vm0 =	vgt.f32 v63, v6  }
0xf7: {  	[tilespmem:$0x1FFA0] =	vst v7;
	v7 =	vsel vm0, $0xFFFFFFFF, v24;
	v6 =	vsel vm0, v23, v6;
	vm8 =	vgt.f32 v16, v3  }
0xf8: {  	v32 =	vld [tilespmem:$0x1FF50];
	v25 =	vsel vm8, v3, v16;
	v3 =	vsel vm8, v16, v3;
	vm14 =	vgt.f32 v16, v6  }
0xf9: {  	[tilespmem:$0x1FFF0] =	vst v7;
	v7 =	vnsel vm5, $0x32, v5;
	v6 =	vsel vm14, v25, v6;
	vm0 =	vgt.f32 v20, v3  }
0xfa: {  	v34 =	vld [tilespmem:$0x1FF60];
	v5 =	vsel vm5, $0x32, v5;
	v28 =	vsel vm0, v3, v20;
	vm6 =	vgt.f32 v20, v6  }
0xfb: {  	vm5 =	vnez.u8 v30;
	v3 =	vsel vm0, v20, v3;
	v6 =	vsel vm6, v28, v6  }
0xfc: {  	v58 =	vor.u32 s13, v2;
	v4 =	vsel vm5, v7, v4;
	v3 =	vsub.f32 v6, v3  }
0xfd: {  	v37 =	vld [tilespmem:$0x1FF80];
	v31 =	vnsel vm10, $0x33, v5;
	v5 =	vsel vm10, $0x33, v5;
	vm10 =	vnez.u8 v32  }
0xfe: {  	v39 =	vld [tilespmem:$0x1FF90];
	v57 =	vmov s13;
	v4 =	vsel vm10, v31, v4;
	v3 =	vmul.f32 $1.442695020e+00, v3  }
0xff: {  	[tilespmem:$0x1FF70] =	vst v9;
	v41 =	vld [tilespmem:$0x1FFA0];
	v33 =	vnsel vm7, $0x34, v5;
	vm10 =	vnez.u8 v34;
	v5 =	vsel vm7, $0x34, v5  }
0x100: {  	v35 =	vnsel vm11, $0x35, v5;
	v5 =	vsel vm11, $0x35, v5;
	(erf) = vpow2.f32 v3;
	v3 =	vld [tilespmem:$0x1FF70]  }
0x101: {  	v4 =	vsel vm10, v33, v4;
	v36 =	vnsel vm13, $0x36, v5;
	v5 =	vsel vm13, $0x36, v5  }
0x102: {  	vm11 =	vnez.u8 v37;
	v38 =	vnsel vm15, $0x37, v5;
	v5 =	vsel vm15, $0x37, v5  }
0x103: {  	[tilespmem:$0x1FFB0] =	vst v12;
	vm13 =	vnez.u8 v39;
	v40 =	vnsel vm4, $0x38, v5;
	v5 =	vsel vm4, $0x38, v5  }
0x104: {  	v43 =	vld [tilespmem:$0x1FFB0];
	[tilespmem:$0x1FFC0] =	vst v8;
	vm15 =	vnez.u8 v41;
	v42 =	vnsel vm3, $0x39, v5;
	v5 =	vsel vm3, $0x39, v5  }
0x105: {  	v45 =	vld [tilespmem:$0x1FFC0];
	[tilespmem:$0x1FFD0] =	vst v10;
	v44 =	vnsel vm9, $0x3A, v5;
	v5 =	vsel vm9, $0x3A, v5;
	vm10 =	vnez.u8 v3  }
0x106: {  	v47 =	vld [tilespmem:$0x1FFD0];
	[tilespmem:$0x1FFE0] =	vst v11;
	v46 =	vnsel vm12, $0x3B, v5;
	v5 =	vsel vm12, $0x3B, v5;
	v3 =	vsel vm10, v35, v4  }
0x107: {  	v49 =	vld [tilespmem:$0x1FFE0];
	v48 =	vnsel vm2, $0x3C, v5;
	v5 =	vsel vm2, $0x3C, v5;
	v3 =	vsel vm11, v36, v3  }
0x108: {  	v51 =	vld [tilespmem:$0x1FFF0];
	v50 =	vnsel vm1, $0x3D, v5;
	v5 =	vsel vm1, $0x3D, v5;
	v3 =	vsel vm13, v38, v3  }
0x109: {  	v52 =	vnsel vm8, $0x3E, v5;
	vm10 =	vnez.u8 v43;
	v3 =	vsel vm15, v40, v3  }
0x10a: {  	v5 =	vsel vm8, $0x3E, v5;
	vm11 =	vnez.u8 v45;
	v3 =	vsel vm10, v42, v3  }
0x10b: {  	vm12 =	vnez.u8 v47;
	v54 =	vnsel vm0, $0x3F, v5;
	v53 =	vpop (erf);
	v3 =	vsel vm11, v44, v3  }
0x10c: {  	vm13 =	vnez.u8 v49;
	v55 =	vadd.f32 $1.000000000e+00, v53;
	v3 =	vsel vm12, v46, v3  }
0x10d: {  	v56 =	vsel vm0, $0x3F, v5;
	vm15 =	vnez.u8 v51;
	v3 =	vsel vm13, v48, v3  }
0x10e: {  	v5 =	vshll.u32 v57, $0x3;
	(erf) = vrcp.f32 v55;
	v3 =	vsel vm15, v50, v3  }
0x10f: {  	v59 =	vshll.u32 v56, $0x9;
	v60 =	vshll.u32 v56, $0x7;
	v3 =	vsel vm14, v52, v3  }
0x110: {  	v5 =	vand.u32 $0xC00, v5;
	v8 =	vand.u32 $0x7FFFF000, v59;
	v3 =	vsel vm6, v54, v3  }
0x111: {  	v9 =	vand.u32 $0x380, v60;
	v61 =	vshll.u32 v3, $0x9;
	v62 =	vshll.u32 v3, $0x7  }
0x112: {  	v8 =	vor.u32 v8, v9;
	v9 =	vand.u32 $0x7FFFF000, v61;
	v10 =	vand.u32 $0x380, v62  }
0x113: {  	v7 =	vand.u32 $0x7F, v58;
	v8 =	vor.u32 v5, v8;
	v9 =	vor.u32 v9, v10  }
0x114: {  	v8 =	vor.u32 v7, v8;
	v5 =	vor.u32 v5, v9  }
0x115: {  	v5 =	vor.u32 v7, v5;
	_ =	sdelay $0x1  }
0x116: {  	p0 =	sne.s32 s14, $0xF80;
	v63 =	vpop (erf)  }
.Ltmp0:
0x117: {  	v6 =	vmul.f32 v63, v53;
	(pc) =	sbr.rel @p0 .LBB2_2-.Ltmp0, $4  }
0x118: {  	s31 =	sshrl.u32 s16, $0x2;
	[tilespmem:v8+s8+$0x0] =	vst.idx.msk $0xffff, v63  }
0x119: {  	s0 =	sor.u32 s15, s31;
	[tilespmem:v5+s8+$0x0] =	vst.idx.msk $0xffff, v6  }
0x11a: {  	[tilespmem:s0+$0x10000] =	vst v56;
	s0 =	sadd.s32 $0x10000, s0  }
0x11b: {  	s14 =	sadd.s32 $0x80, s14;
	s13 =	sadd.s32 $0x10, s13;
	[tilespmem:s0+$0x80] =	vst v3  }
0x11c: {  	s0 =	simm.s32 $0x1000  }
0x11d: {  	[hbm4b:s4+s0] =	stream.strided.scatter [tilespmem:s8], [sflag:$0x1], $0x8000, s10, s0, $0x38;
	[tilespmem:$0x10400] =	vst v63  }
0x11e: {  	s12 =	sadd.s32 $0x1, s12;
	_ =	swait.ge [sflag:s7], $0x8000  }
0x11f: {  	p0 =	sne.s32 s12, s6;
	[sflag:s7] =	ssyncset.done $0x0  }
.Ltmp1:
0x120: {  	[sflag:s7] =	ssyncadd.s32 $0xFFFF8000;
	(pc) =	sbr.rel @p0 .LBB2_1-.Ltmp1, $4  }
0x121: {  	[hbm4b:s5+s2] =	stream.linear.scatter [tilespmem:s11], [sflag:$0x1], $0x400, $0x38;
	[tilespmem:$0x10400] =	vst v63  }
0x122: {  	_ =	swait.ge [sflag:s7], $0x400  }
0x123: {  	[sflag:s7] =	ssyncset.done $0x0  }
0x124: {  	[sflag:s7] =	ssyncadd.s32 $0xFFFFFC00  }
0x125: {  	_ =	sfence.sel $0x180000  }
0x126: {  	[bflag:$0x0] =	sbarrier.arrive $0xFFFF  }
0x127: {  	_ =	strace $0x90000047  }
0x128: {  	s0 =	stileid.u32;
	[bflag:$0x2] =	sbarrier.arrive $0xFFFF  }
0x129: {  	p0 =	sne.s32 s0, $0x0;
	s0 =	rddreg [dreg:$0x3]  }
0x12a: {  	s0 =	sadd.s32 @!p0 $0x100000, s0  }
0x12b: {  	[sflag:s0] =	ssyncadd.tile.s32 @!p0 $0x1;
	_ =	shalt  }
.Lfunc_end2:
_tile_overlayer_lowered:
.L_overlay_start_2:
0x12c: {  	(tag) =	ssettag $0x2  }
0x12d: {  	s0 =	rddreg [dreg:$0x0];
	s2 =	stileid.u32  }
0x12e: {  	s1 =	rddreg [dreg:$0x1];
	p0 =	sne.s32 s2, $0x0  }
0x12f: {  	s3 =	rddreg [dreg:$0x2];
	[bflag:$0x3] =	sbarrier.arrive $0xFFFF;
	s2 =	simm.s32 @!p0 $0x1C01  }
0x130: {  	[timem:s3], [sflag:s2] =	dma.local @!p0 [hbm:s0], s1  }
0x131: {  	s0 =	simm.s32 @!p0 $0x1  }
0x132: {  	_ =	swait.ge @!p0 [sflag:s0], s1  }
0x133: {  	s1 =	ssub.s32 @!p0 $0x0, s1;
	[sflag:s0] =	ssyncset.done @!p0 $0x0  }
0x134: {  	[sflag:s0] =	ssyncadd.s32 @!p0 s1  }
0x135: {  	[bflag:$0x3] =	sbarrier.arrive $0xFFFF  }
0x136: {  	_ =	shalt  }

</sc_bundles>
